<compile_context>
chip_gen: v7x
topology: tpu7x:2x2x1
jax: 0.10.2.dev20260603
libtpu: 0.0.44.dev20260713+nightly
codegen_flags: <defaults>
</compile_context>

<pallas_src>
import functools

import jax
import jax.numpy as jnp
from jax import lax
from jax.experimental import pallas as pl
from jax.experimental.pallas import tpu as pltpu
from jax.experimental.pallas import tpu_sc as plsc

NC = 2
NS = 16
NW = NC * NS

N = 10000
E = 320000
D = 128

EPW = E // NW
CHUNK = 2000
HALF = N // 2
TRASH = HALF
GS = 128


@functools.lru_cache(maxsize=None)
def _mesh():
    return plsc.VectorSubcoreMesh(
        core_axis_name="c", subcore_axis_name="s",
        num_cores=NC, num_subcores=NS)


def _hist_body(src_hbm, dst_hbm, out_hbm, hist_v, idx_s, idx_d):
    c = lax.axis_index("c")
    s = lax.axis_index("s")
    wid = c * NS + s
    H = 3 * N
    zeros16 = jnp.zeros((16,), jnp.float32)
    ones16 = jnp.ones((16,), jnp.float32)

    def zero_body(i, _):
        hist_v[pl.ds(i * 16, 16)] = zeros16
        return 0
    lax.fori_loop(0, H // 16, zero_body, 0)

    base = wid * EPW

    def chunk_body(k, _):
        off = base + k * CHUNK
        pltpu.sync_copy(src_hbm.at[pl.ds(off, CHUNK)], idx_s)
        pltpu.sync_copy(dst_hbm.at[pl.ds(off, CHUNK)], idx_d)

        def vec_body(j, _):
            sv = idx_s[pl.ds(j * 16, 16)]
            dv = idx_d[pl.ds(j * 16, 16)]
            plsc.addupdate_scatter(hist_v, [sv], ones16)
            plsc.addupdate_scatter(hist_v, [dv + N], ones16)
            mz = dv == 0
            nz = plsc.all_reduce_population_count(mz)[0]

            @pl.when(nz > 0)
            def _():
                plsc.addupdate_scatter(hist_v, [sv + 2 * N], ones16, mask=mz)
            return 0
        lax.fori_loop(0, CHUNK // 16, vec_body, 0)
        return 0
    lax.fori_loop(0, EPW // CHUNK, chunk_body, 0)

    pltpu.sync_copy(hist_v, out_hbm.at[wid])


@functools.lru_cache(maxsize=None)
def _hist_call():
    return functools.partial(
        pl.kernel,
        out_type=jax.ShapeDtypeStruct((NW, 3 * N), jnp.float32),
        mesh=_mesh(),
        compiler_params=pltpu.CompilerParams(needs_layout_passes=False),
        scratch_types=[
            pltpu.VMEM((3 * N,), jnp.float32),
            pltpu.VMEM((CHUNK,), jnp.int32),
            pltpu.VMEM((CHUNK,), jnp.int32),
        ],
    )(_hist_body)


def _norms_body(hist_ref, out_ref):
    hs = jnp.sum(hist_ref[...], axis=0)
    deg_out = hs[0:1, :]
    deg_in = hs[1:2, :]
    w = hs[2:3, :]
    on = jnp.where(deg_out > 0.5,
                   lax.rsqrt(jnp.maximum(deg_out, 1.0)), 0.0)
    inn = jnp.where(deg_in > 0.5,
                    lax.rsqrt(jnp.maximum(deg_in, 1.0)), 0.0)
    win = w * on
    out_ref[...] = jnp.concatenate([on, inn, w, win], axis=0)


def _norms_call(hist3):
    return pl.pallas_call(
        _norms_body,
        out_shape=jax.ShapeDtypeStruct((4, N), jnp.float32),
    )(hist3)


def _h1_body(x_ref, on_ref, w1_ref, out_ref):
    out_ref[...] = jnp.dot(x_ref[...] * on_ref[...], w1_ref[...],
                           preferred_element_type=jnp.float32)


def _h1_call(x, on_col, W1):
    return pl.pallas_call(
        _h1_body,
        out_shape=jax.ShapeDtypeStruct((N, D), jnp.float32),
    )(x, on_col, W1)


ZROWS = 312
CHUNKA = 4000
EPT = E // NS
ZB = 104


def _agg_body(src_hbm, dst_hbm, w_hbm, h1_hbm, out_hbm,
              w_v, idx_s, idx_d, list_s, list_d, sbuf, dbuf, rows_v,
              zrows, m1_sh, sem):
    c = lax.axis_index("c")
    s = lax.axis_index("s")
    lo = c * HALF

    zeros16 = jnp.zeros((16,), jnp.float32)
    trash16 = jnp.full((16,), TRASH, jnp.int32)
    zi16 = jnp.zeros((16,), jnp.int32)

    def zrow_body(i, _):
        for j in range(D // 16):
            zrows[i, pl.ds(j * 16, 16)] = zeros16
        return 0
    lax.fori_loop(0, ZB, zrow_body, 0)

    for i in range(ZROWS // ZB):
        pltpu.sync_copy(zrows, m1_sh.at[pl.ds(s * ZROWS + i * ZB, ZB)])

    @pl.when(s == 0)
    def _():
        pltpu.sync_copy(zrows.at[pl.ds(0, 16)],
                        m1_sh.at[pl.ds(NS * ZROWS, 16)])

    pltpu.sync_copy(w_hbm, w_v)

    plsc.subcore_barrier()

    base = s * EPT

    BLK = 80
    assert CHUNKA % BLK == 0 and EPT % CHUNKA == 0

    def chunk_body(k, off):
        eoff = base + k * CHUNKA
        pltpu.sync_copy(src_hbm.at[pl.ds(eoff, CHUNKA)], idx_s)
        pltpu.sync_copy(dst_hbm.at[pl.ds(eoff, CHUNKA)], idx_d)

        def blk_body(b, off):
            hit = None
            for t in range(BLK // 16):
                dv = idx_d[pl.ds(b * BLK + t * 16, 16)]
                mt = plsc.load_gather(w_v, [dv]) > 0.5
                hit = mt if hit is None else (hit | mt)
            nhit = plsc.all_reduce_population_count(hit)[0]

            def slow(off):
                def vec_body(j, off):
                    sv = idx_s[pl.ds(b * BLK + j * 16, 16)]
                    dv = idx_d[pl.ds(b * BLK + j * 16, 16)]
                    wv = plsc.load_gather(w_v, [dv])
                    m = (wv > 0.5) & (dv >= lo) & (dv < lo + HALF)
                    plsc.store_compressed(list_s.at[pl.ds(off, 16)], sv,
                                          mask=m)
                    plsc.store_compressed(list_d.at[pl.ds(off, 16)], dv - lo,
                                          mask=m)
                    return off + plsc.all_reduce_population_count(m)[0]
                return lax.fori_loop(0, BLK // 16, vec_body, off)
            return lax.cond(nhit > 0, slow, lambda o: o, off)
        return lax.fori_loop(0, CHUNKA // BLK, blk_body, off)
    cnt = lax.fori_loop(0, EPT // CHUNKA, chunk_body, 0)

    for i in range(GS // 16):
        list_s[pl.ds(cnt + i * 16, 16)] = zi16
        list_d[pl.ds(cnt + i * 16, 16)] = trash16

    nch = (cnt + (GS - 1)) // GS

    def gs_body(k, _):
        for j in range(GS // 16):
            sbuf[pl.ds(j * 16, 16)] = list_s[pl.ds(k * GS + j * 16, 16)]
            dbuf[pl.ds(j * 16, 16)] = list_d[pl.ds(k * GS + j * 16, 16)]
        pltpu.async_copy(h1_hbm.at[sbuf], rows_v, sem).wait()
        pltpu.sync_copy(rows_v, m1_sh.at[dbuf], add=True)
        return 0
    lax.fori_loop(0, nch, gs_body, 0)

    plsc.subcore_barrier()

    r0 = s * ZROWS
    pltpu.sync_copy(m1_sh.at[pl.ds(r0, ZROWS)],
                    out_hbm.at[pl.ds(lo + r0, ZROWS)])

    @pl.when(s == 0)
    def _():
        pltpu.sync_copy(m1_sh.at[pl.ds(NS * ZROWS, 8)],
                        out_hbm.at[pl.ds(lo + NS * ZROWS, 8)])


@functools.lru_cache(maxsize=None)
def _agg_call():
    return functools.partial(
        pl.kernel,
        out_type=jax.ShapeDtypeStruct((N, D), jnp.float32),
        mesh=_mesh(),
        compiler_params=pltpu.CompilerParams(needs_layout_passes=False),
        scratch_types=[
            pltpu.VMEM((N,), jnp.float32),
            pltpu.VMEM((CHUNKA,), jnp.int32),
            pltpu.VMEM((CHUNKA,), jnp.int32),
            pltpu.VMEM((EPT + 160,), jnp.int32),
            pltpu.VMEM((EPT + 160,), jnp.int32),
            pltpu.VMEM((GS,), jnp.int32),
            pltpu.VMEM((GS,), jnp.int32),
            pltpu.VMEM((GS, D), jnp.float32),
            pltpu.VMEM((ZB, D), jnp.float32),
            pltpu.VMEM_SHARED((NS * ZROWS + 16, D), jnp.float32),
            pltpu.SemaphoreType.DMA,
        ],
    )(_agg_body)


def _final_body(m1_ref, incol_ref, winrow_ref, b1_ref, ln1w_ref, ln1b_ref,
                w2_ref, b2_ref, ln2w_ref, ln2b_ref, out_ref):
    h = m1_ref[...] * incol_ref[...] + b1_ref[...]
    mu = jnp.mean(h, axis=1, keepdims=True)
    xc = h - mu
    var = jnp.mean(xc * xc, axis=1, keepdims=True)
    f1 = xc * lax.rsqrt(var + 1e-5) * ln1w_ref[...] + ln1b_ref[...]
    f1 = jnp.maximum(f1, 0.0)
    q = jnp.dot(winrow_ref[...], f1, preferred_element_type=jnp.float32)
    in0 = incol_ref[0:1, 0:1]
    y = jnp.dot(q, w2_ref[...], preferred_element_type=jnp.float32)
    y = y * in0 + b2_ref[...]
    mu2 = jnp.mean(y, axis=1, keepdims=True)
    yc = y - mu2
    var2 = jnp.mean(yc * yc, axis=1, keepdims=True)
    y = yc * lax.rsqrt(var2 + 1e-5) * ln2w_ref[...] + ln2b_ref[...]
    out_ref[...] = jnp.maximum(y, 0.0)


def _final_call(m1, in_col, win_row, b1, ln1_w, ln1_b, W2, b2, ln2_w, ln2_b):
    return pl.pallas_call(
        _final_body,
        out_shape=jax.ShapeDtypeStruct((1, D), jnp.float32),
    )(m1, in_col, win_row, b1, ln1_w, ln1_b, W2, b2, ln2_w, ln2_b)


def kernel(x, edge_index, W1, b1, ln1_w, ln1_b, W2, b2, ln2_w, ln2_b):
    src = edge_index[0]
    dst = edge_index[1]

    hist = _hist_call()(src, dst)
    norms = _norms_call(hist.reshape(NW, 3, N))

    on_col = norms[0].reshape(N, 1)
    in_col = norms[1].reshape(N, 1)
    w_flat = norms[2]
    win_row = norms[3].reshape(1, N)

    h1 = _h1_call(x, on_col, W1)
    m1 = _agg_call()(src, dst, w_flat, h1)

    return _final_call(
        m1, in_col, win_row,
        b1.reshape(1, D), ln1_w.reshape(1, D), ln1_b.reshape(1, D),
        W2, b2.reshape(1, D), ln2_w.reshape(1, D), ln2_b.reshape(1, D))

# --- scband reference (transcript-rebuilt; emitter-appended) ---
"""Pipeline reference for scband-graph-encoder-71691594105496 (READ-ONLY COPY).

The authoritative reference and input builder live on the scoring server;
editing this copy changes nothing except your own understanding.
"""

import jax, jax.numpy as jnp
import numpy as np

N = 10000
E = 320000
D = 128

def setup_inputs(seed: int = 0) -> dict:
    key = jax.random.key(seed)
    ks = jax.random.split(key, 12)
    x = jax.random.normal(ks[0], (N, D), dtype=jnp.float32)
    edge_index = jax.random.randint(ks[1], (2, E), 0, N, dtype=jnp.int32)
    s = 1.0 / np.sqrt(D)
    W1 = jax.random.normal(ks[2], (D, D), dtype=jnp.float32) * s
    b1 = jnp.zeros((D,), dtype=jnp.float32)
    ln1_w = jnp.ones((D,), dtype=jnp.float32)
    ln1_b = jnp.zeros((D,), dtype=jnp.float32)
    W2 = jax.random.normal(ks[3], (D, D), dtype=jnp.float32) * s
    b2 = jnp.zeros((D,), dtype=jnp.float32)
    ln2_w = jnp.ones((D,), dtype=jnp.float32)
    ln2_b = jnp.zeros((D,), dtype=jnp.float32)
    return {"x": x, "edge_index": edge_index, "W1": W1, "b1": b1,
            "ln1_w": ln1_w, "ln1_b": ln1_b, "W2": W2, "b2": b2,
            "ln2_w": ln2_w, "ln2_b": ln2_b}

def _layer_norm(h, w, b):
    mu = jnp.mean(h, axis=-1, keepdims=True)
    var = jnp.mean((h - mu) ** 2, axis=-1, keepdims=True)
    return (h - mu) / jnp.sqrt(var + 1e-5) * w + b

def _gcn_layer(h, src, dst, W, b, out_norm, in_norm, n):
    # DGL GraphConv(norm='both'): D_out^{-1/2} on src feats, W first (in==out), scatter-add, D_in^{-1/2}, + bias
    h = h * out_norm[:, None]
    h = h @ W
    m = jax.ops.segment_sum(h[src], dst, num_segments=n)
    m = m * in_norm[:, None]
    return m + b

def reference(x, edge_index, W1, b1, ln1_w, ln1_b, W2, b2, ln2_w, ln2_b):
    n = x.shape[0]
    src = edge_index[0]
    dst = edge_index[1]
    ones = jnp.ones((src.shape[0],), dtype=jnp.float32)
    deg_out = jax.ops.segment_sum(ones, src, num_segments=n)
    deg_in = jax.ops.segment_sum(ones, dst, num_segments=n)
    out_norm = jnp.where(deg_out > 0, 1.0 / jnp.sqrt(jnp.maximum(deg_out, 1.0)), 0.0)
    in_norm = jnp.where(deg_in > 0, 1.0 / jnp.sqrt(jnp.maximum(deg_in, 1.0)), 0.0)
    feats = x
    feats = _gcn_layer(feats, src, dst, W1, b1, out_norm, in_norm, n)
    feats = _layer_norm(feats, ln1_w, ln1_b)
    feats = jax.nn.relu(feats)
    # dropout is identity in eval mode
    feats = _gcn_layer(feats, src, dst, W2, b2, out_norm, in_norm, n)
    feats = _layer_norm(feats, ln2_w, ln2_b)
    feats = jax.nn.relu(feats)
    # batched graph readout: single graph -> batch_num_nodes = [N], first node idx = [0]
    first_nodes_idx = jnp.array([0], dtype=jnp.int32)
    return feats[first_nodes_idx]

if __name__ == "__main__":
    import jax
    _d = setup_inputs()
    print(jax.jit(kernel)(*tuple(_d.values())))

</pallas_src>

<mosaic_0001>
#map = affine_map<(d0, d1) -> (0)>
#map1 = affine_map<(d0, d1) -> (0, 0)>
module attributes {stable_mosaic.version = 14 : i64} {
  func.func @_agg_body(%arg0: i32, %arg1: i32, %arg2: memref<320000xi32, #tpu.memory_space<hbm>>, %arg3: memref<320000xi32, #tpu.memory_space<hbm>>, %arg4: memref<10000xf32, #tpu.memory_space<hbm>>, %arg5: memref<10000x128xf32, #tpu.memory_space<hbm>>, %arg6: memref<10000x128xf32, #tpu.memory_space<hbm>>, %arg7: memref<10000xf32, #tpu.memory_space<vmem>>, %arg8: memref<4000xi32, #tpu.memory_space<vmem>>, %arg9: memref<4000xi32, #tpu.memory_space<vmem>>, %arg10: memref<20160xi32, #tpu.memory_space<vmem>>, %arg11: memref<20160xi32, #tpu.memory_space<vmem>>, %arg12: memref<128xi32, #tpu.memory_space<vmem>>, %arg13: memref<128xi32, #tpu.memory_space<vmem>>, %arg14: memref<128x128xf32, #tpu.memory_space<vmem>>, %arg15: memref<104x128xf32, #tpu.memory_space<vmem>>, %arg16: memref<5008x128xf32, #tpu.memory_space<vmem_shared>>, %arg17: memref<!tpu.dma_semaphore, #tpu.memory_space<semaphore_mem>>) attributes {dimension_semantics = [#tpu.dimension_semantics<core_parallel>, #tpu.dimension_semantics<subcore_parallel>], iteration_bounds = array<i64: 2, 16>, scalar_prefetch = 0 : i64, scratch_operands = 11 : i64, tpu.core_type = #tpu.core_type<sc_vector_subcore>, window_params = [{transform_indices = #map}, {transform_indices = #map}, {transform_indices = #map}, {transform_indices = #map1}, {transform_indices = #map1}]} {
    %mul3A = arith.constant 5000 : i32
    %mul3A_0 = arith.muli %arg0, %mul3A : i32
    %broadcast_in_dim3A = arith.constant 0.000000e+00 : f32
    %broadcast_in_dim3A_1 = vector.broadcast %broadcast_in_dim3A : f32 to vector<16xf32>
    %broadcast_in_dim3A_2 = arith.constant 5000 : i32
    %broadcast_in_dim3A_3 = vector.broadcast %broadcast_in_dim3A_2 : i32 to vector<16xi32>
    %broadcast_in_dim3A_4 = arith.constant 0 : i32
    %broadcast_in_dim3A_5 = vector.broadcast %broadcast_in_dim3A_4 : i32 to vector<16xi32>
    %scan3A = arith.constant 0 : i32
    %scan3A_6 = arith.constant 0 : i32
    %scan3A_7 = arith.constant 104 : i32
    %scan3A_8 = arith.addi %scan3A_6, %scan3A_7 : i32
    %scan3A_9 = arith.constant 1 : i32
    %scan3A_10 = scf.for %scan3A_135 = %scan3A_6 to %scan3A_8 step %scan3A_9 iter_args(%scan3A_136 = %scan3A) -> (i32)  : i32 {
      %swap3A_137 = arith.index_cast %scan3A_135 : i32 to index
      %swap3A_138 = arith.constant 0 : index
      %swap3A_139 = tpu.vector_load %arg15[%swap3A_137, %swap3A_138] {strides = array<i32>} : memref<104x128xf32, #tpu.memory_space<vmem>>, vector<16xf32>,
      tpu.vector_store %arg15[%swap3A_137, %swap3A_138], %broadcast_in_dim3A_1 {strides = array<i32>} : memref<104x128xf32, #tpu.memory_space<vmem>>, vector<16xf32>,
      %swap3A_140 = arith.index_cast %scan3A_135 : i32 to index
      %swap3A_141 = arith.constant 16 : index
      %swap3A_142 = tpu.vector_load %arg15[%swap3A_140, %swap3A_141] {strides = array<i32>} : memref<104x128xf32, #tpu.memory_space<vmem>>, vector<16xf32>,
      tpu.vector_store %arg15[%swap3A_140, %swap3A_141], %broadcast_in_dim3A_1 {strides = array<i32>} : memref<104x128xf32, #tpu.memory_space<vmem>>, vector<16xf32>,
      %swap3A_143 = arith.index_cast %scan3A_135 : i32 to index
      %swap3A_144 = arith.constant 32 : index
      %swap3A_145 = tpu.vector_load %arg15[%swap3A_143, %swap3A_144] {strides = array<i32>} : memref<104x128xf32, #tpu.memory_space<vmem>>, vector<16xf32>,
      tpu.vector_store %arg15[%swap3A_143, %swap3A_144], %broadcast_in_dim3A_1 {strides = array<i32>} : memref<104x128xf32, #tpu.memory_space<vmem>>, vector<16xf32>,
      %swap3A_146 = arith.index_cast %scan3A_135 : i32 to index
      %swap3A_147 = arith.constant 48 : index
      %swap3A_148 = tpu.vector_load %arg15[%swap3A_146, %swap3A_147] {strides = array<i32>} : memref<104x128xf32, #tpu.memory_space<vmem>>, vector<16xf32>,
      tpu.vector_store %arg15[%swap3A_146, %swap3A_147], %broadcast_in_dim3A_1 {strides = array<i32>} : memref<104x128xf32, #tpu.memory_space<vmem>>, vector<16xf32>,
      %swap3A_149 = arith.index_cast %scan3A_135 : i32 to index
      %swap3A_150 = arith.constant 64 : index
      %swap3A_151 = tpu.vector_load %arg15[%swap3A_149, %swap3A_150] {strides = array<i32>} : memref<104x128xf32, #tpu.memory_space<vmem>>, vector<16xf32>,
      tpu.vector_store %arg15[%swap3A_149, %swap3A_150], %broadcast_in_dim3A_1 {strides = array<i32>} : memref<104x128xf32, #tpu.memory_space<vmem>>, vector<16xf32>,
      %swap3A_152 = arith.index_cast %scan3A_135 : i32 to index
      %swap3A_153 = arith.constant 80 : index
      %swap3A_154 = tpu.vector_load %arg15[%swap3A_152, %swap3A_153] {strides = array<i32>} : memref<104x128xf32, #tpu.memory_space<vmem>>, vector<16xf32>,
      tpu.vector_store %arg15[%swap3A_152, %swap3A_153], %broadcast_in_dim3A_1 {strides = array<i32>} : memref<104x128xf32, #tpu.memory_space<vmem>>, vector<16xf32>,
      %swap3A_155 = arith.index_cast %scan3A_135 : i32 to index
      %swap3A_156 = arith.constant 96 : index
      %swap3A_157 = tpu.vector_load %arg15[%swap3A_155, %swap3A_156] {strides = array<i32>} : memref<104x128xf32, #tpu.memory_space<vmem>>, vector<16xf32>,
      tpu.vector_store %arg15[%swap3A_155, %swap3A_156], %broadcast_in_dim3A_1 {strides = array<i32>} : memref<104x128xf32, #tpu.memory_space<vmem>>, vector<16xf32>,
      %swap3A_158 = arith.index_cast %scan3A_135 : i32 to index
      %swap3A_159 = arith.constant 112 : index
      %swap3A_160 = tpu.vector_load %arg15[%swap3A_158, %swap3A_159] {strides = array<i32>} : memref<104x128xf32, #tpu.memory_space<vmem>>, vector<16xf32>,
      tpu.vector_store %arg15[%swap3A_158, %swap3A_159], %broadcast_in_dim3A_1 {strides = array<i32>} : memref<104x128xf32, #tpu.memory_space<vmem>>, vector<16xf32>,
      %scan3A_161 = arith.constant 0 : i32
      scf.yield %scan3A_161 : i32
    }
    %scan3A_11 = arith.constant 104 : i32
    %mul3A_12 = arith.constant 312 : i32
    %mul3A_13 = arith.muli %arg1, %mul3A_12 : i32
    %add3A = arith.constant 0 : i32
    %add3A_14 = arith.addi %mul3A_13, %add3A : i32
    "tpu.region"() ({
      %run_scoped3A = tpu.sem_alloc : memref<!tpu.dma_semaphore, #tpu.memory_space<semaphore_mem>>
      %dma_start3A = arith.constant 0 : i32
      %dma_start3A_135 = tpu.memref_slice %arg16[%add3A_14, %dma_start3A] : memref<5008x128xf32, #tpu.memory_space<vmem_shared>> -> memref<104x128xf32, #tpu.memory_space<vmem_shared>>
      %dma_start3A_136 = arith.constant 0 : i32
      %dma_start3A_137 = tpu.memref_slice %arg16[%add3A_14, %dma_start3A_136] : memref<5008x128xf32, #tpu.memory_space<vmem_shared>> -> memref<104x128xf32, #tpu.memory_space<vmem_shared>>
      tpu.enqueue_dma source(%arg15 : memref<104x128xf32, #tpu.memory_space<vmem>>) target(%dma_start3A_137 : memref<104x128xf32, #tpu.memory_space<vmem_shared>>) target_semaphore(%run_scoped3A : memref<!tpu.dma_semaphore, #tpu.memory_space<semaphore_mem>>)
      %dma_wait3A = arith.constant 0 : i32
      %dma_wait3A_138 = tpu.memref_slice %arg16[%add3A_14, %dma_wait3A] : memref<5008x128xf32, #tpu.memory_space<vmem_shared>> -> memref<104x128xf32, #tpu.memory_space<vmem_shared>>
      %dma_wait3A_139 = arith.constant 0 : i32
      %dma_wait3A_140 = tpu.memref_slice %arg16[%add3A_14, %dma_wait3A_139] : memref<5008x128xf32, #tpu.memory_space<vmem_shared>> -> memref<104x128xf32, #tpu.memory_space<vmem_shared>>
      tpu.wait_dma2 semaphore(%run_scoped3A : memref<!tpu.dma_semaphore, #tpu.memory_space<semaphore_mem>>) src(%arg15 : memref<104x128xf32, #tpu.memory_space<vmem>>) dst(%dma_wait3A_140 : memref<104x128xf32, #tpu.memory_space<vmem_shared>>)
      tpu.yield
    }) : () -> ()
    %mul3A_15 = arith.constant 312 : i32
    %mul3A_16 = arith.muli %arg1, %mul3A_15 : i32
    %add3A_17 = arith.constant 104 : i32
    %add3A_18 = arith.addi %mul3A_16, %add3A_17 : i32
    "tpu.region"() ({
      %run_scoped3A = tpu.sem_alloc : memref<!tpu.dma_semaphore, #tpu.memory_space<semaphore_mem>>
      %dma_start3A = arith.constant 0 : i32
      %dma_start3A_135 = tpu.memref_slice %arg16[%add3A_18, %dma_start3A] : memref<5008x128xf32, #tpu.memory_space<vmem_shared>> -> memref<104x128xf32, #tpu.memory_space<vmem_shared>>
      %dma_start3A_136 = arith.constant 0 : i32
      %dma_start3A_137 = tpu.memref_slice %arg16[%add3A_18, %dma_start3A_136] : memref<5008x128xf32, #tpu.memory_space<vmem_shared>> -> memref<104x128xf32, #tpu.memory_space<vmem_shared>>
      tpu.enqueue_dma source(%arg15 : memref<104x128xf32, #tpu.memory_space<vmem>>) target(%dma_start3A_137 : memref<104x128xf32, #tpu.memory_space<vmem_shared>>) target_semaphore(%run_scoped3A : memref<!tpu.dma_semaphore, #tpu.memory_space<semaphore_mem>>)
      %dma_wait3A = arith.constant 0 : i32
      %dma_wait3A_138 = tpu.memref_slice %arg16[%add3A_18, %dma_wait3A] : memref<5008x128xf32, #tpu.memory_space<vmem_shared>> -> memref<104x128xf32, #tpu.memory_space<vmem_shared>>
      %dma_wait3A_139 = arith.constant 0 : i32
      %dma_wait3A_140 = tpu.memref_slice %arg16[%add3A_18, %dma_wait3A_139] : memref<5008x128xf32, #tpu.memory_space<vmem_shared>> -> memref<104x128xf32, #tpu.memory_space<vmem_shared>>
      tpu.wait_dma2 semaphore(%run_scoped3A : memref<!tpu.dma_semaphore, #tpu.memory_space<semaphore_mem>>) src(%arg15 : memref<104x128xf32, #tpu.memory_space<vmem>>) dst(%dma_wait3A_140 : memref<104x128xf32, #tpu.memory_space<vmem_shared>>)
      tpu.yield
    }) : () -> ()
    %mul3A_19 = arith.constant 312 : i32
    %mul3A_20 = arith.muli %arg1, %mul3A_19 : i32
    %add3A_21 = arith.constant 208 : i32
    %add3A_22 = arith.addi %mul3A_20, %add3A_21 : i32
    "tpu.region"() ({
      %run_scoped3A = tpu.sem_alloc : memref<!tpu.dma_semaphore, #tpu.memory_space<semaphore_mem>>
      %dma_start3A = arith.constant 0 : i32
      %dma_start3A_135 = tpu.memref_slice %arg16[%add3A_22, %dma_start3A] : memref<5008x128xf32, #tpu.memory_space<vmem_shared>> -> memref<104x128xf32, #tpu.memory_space<vmem_shared>>
      %dma_start3A_136 = arith.constant 0 : i32
      %dma_start3A_137 = tpu.memref_slice %arg16[%add3A_22, %dma_start3A_136] : memref<5008x128xf32, #tpu.memory_space<vmem_shared>> -> memref<104x128xf32, #tpu.memory_space<vmem_shared>>
      tpu.enqueue_dma source(%arg15 : memref<104x128xf32, #tpu.memory_space<vmem>>) target(%dma_start3A_137 : memref<104x128xf32, #tpu.memory_space<vmem_shared>>) target_semaphore(%run_scoped3A : memref<!tpu.dma_semaphore, #tpu.memory_space<semaphore_mem>>)
      %dma_wait3A = arith.constant 0 : i32
      %dma_wait3A_138 = tpu.memref_slice %arg16[%add3A_22, %dma_wait3A] : memref<5008x128xf32, #tpu.memory_space<vmem_shared>> -> memref<104x128xf32, #tpu.memory_space<vmem_shared>>
      %dma_wait3A_139 = arith.constant 0 : i32
      %dma_wait3A_140 = tpu.memref_slice %arg16[%add3A_22, %dma_wait3A_139] : memref<5008x128xf32, #tpu.memory_space<vmem_shared>> -> memref<104x128xf32, #tpu.memory_space<vmem_shared>>
      tpu.wait_dma2 semaphore(%run_scoped3A : memref<!tpu.dma_semaphore, #tpu.memory_space<semaphore_mem>>) src(%arg15 : memref<104x128xf32, #tpu.memory_space<vmem>>) dst(%dma_wait3A_140 : memref<104x128xf32, #tpu.memory_space<vmem_shared>>)
      tpu.yield
    }) : () -> ()
    %eq3A = arith.constant 0 : i32
    %eq3A_23 = arith.cmpi eq, %arg1, %eq3A : i32
    %convert_element_type3A = arith.extui %eq3A_23 : i1 to i32
    %cond3A = arith.constant 0 : i32
    %cond3A_24 = arith.cmpi ne, %convert_element_type3A, %cond3A : i32
    scf.if %cond3A_24 {
      "tpu.region"() ({
        %run_scoped3A = tpu.sem_alloc : memref<!tpu.dma_semaphore, #tpu.memory_space<semaphore_mem>>
        %dma_start3A = arith.constant 0 : i32
        %dma_start3A_135 = arith.constant 0 : i32
        %dma_start3A_136 = tpu.memref_slice %arg15[%dma_start3A, %dma_start3A_135] : memref<104x128xf32, #tpu.memory_space<vmem>> -> memref<16x128xf32, #tpu.memory_space<vmem>>
        %dma_start3A_137 = arith.constant 4992 : i32
        %dma_start3A_138 = arith.constant 0 : i32
        %dma_start3A_139 = tpu.memref_slice %arg16[%dma_start3A_137, %dma_start3A_138] : memref<5008x128xf32, #tpu.memory_space<vmem_shared>> -> memref<16x128xf32, #tpu.memory_space<vmem_shared>>
        %dma_start3A_140 = arith.constant 4992 : i32
        %dma_start3A_141 = arith.constant 0 : i32
        %dma_start3A_142 = tpu.memref_slice %arg16[%dma_start3A_140, %dma_start3A_141] : memref<5008x128xf32, #tpu.memory_space<vmem_shared>> -> memref<16x128xf32, #tpu.memory_space<vmem_shared>>
        %dma_start3A_143 = arith.constant 0 : i32
        %dma_start3A_144 = arith.constant 0 : i32
        %dma_start3A_145 = tpu.memref_slice %arg15[%dma_start3A_143, %dma_start3A_144] : memref<104x128xf32, #tpu.memory_space<vmem>> -> memref<16x128xf32, #tpu.memory_space<vmem>>
        tpu.enqueue_dma source(%dma_start3A_145 : memref<16x128xf32, #tpu.memory_space<vmem>>) target(%dma_start3A_142 : memref<16x128xf32, #tpu.memory_space<vmem_shared>>) target_semaphore(%run_scoped3A : memref<!tpu.dma_semaphore, #tpu.memory_space<semaphore_mem>>)
        %dma_wait3A = arith.constant 0 : i32
        %dma_wait3A_146 = arith.constant 0 : i32
        %dma_wait3A_147 = tpu.memref_slice %arg15[%dma_wait3A, %dma_wait3A_146] : memref<104x128xf32, #tpu.memory_space<vmem>> -> memref<16x128xf32, #tpu.memory_space<vmem>>
        %dma_wait3A_148 = arith.constant 4992 : i32
        %dma_wait3A_149 = arith.constant 0 : i32
        %dma_wait3A_150 = tpu.memref_slice %arg16[%dma_wait3A_148, %dma_wait3A_149] : memref<5008x128xf32, #tpu.memory_space<vmem_shared>> -> memref<16x128xf32, #tpu.memory_space<vmem_shared>>
        %dma_wait3A_151 = arith.constant 4992 : i32
        %dma_wait3A_152 = arith.constant 0 : i32
        %dma_wait3A_153 = tpu.memref_slice %arg16[%dma_wait3A_151, %dma_wait3A_152] : memref<5008x128xf32, #tpu.memory_space<vmem_shared>> -> memref<16x128xf32, #tpu.memory_space<vmem_shared>>
        %dma_wait3A_154 = arith.constant 0 : i32
        %dma_wait3A_155 = arith.constant 0 : i32
        %dma_wait3A_156 = tpu.memref_slice %arg15[%dma_wait3A_154, %dma_wait3A_155] : memref<104x128xf32, #tpu.memory_space<vmem>> -> memref<16x128xf32, #tpu.memory_space<vmem>>
        tpu.wait_dma2 semaphore(%run_scoped3A : memref<!tpu.dma_semaphore, #tpu.memory_space<semaphore_mem>>) src(%dma_wait3A_156 : memref<16x128xf32, #tpu.memory_space<vmem>>) dst(%dma_wait3A_153 : memref<16x128xf32, #tpu.memory_space<vmem_shared>>)
        tpu.yield
      }) : () -> ()
    } else {
    }
    "tpu.region"() ({
      %run_scoped3A = tpu.sem_alloc : memref<!tpu.dma_semaphore, #tpu.memory_space<semaphore_mem>>
      tpu.enqueue_dma source(%arg4 : memref<10000xf32, #tpu.memory_space<hbm>>) target(%arg7 : memref<10000xf32, #tpu.memory_space<vmem>>) target_semaphore(%run_scoped3A : memref<!tpu.dma_semaphore, #tpu.memory_space<semaphore_mem>>)
      tpu.wait_dma2 semaphore(%run_scoped3A : memref<!tpu.dma_semaphore, #tpu.memory_space<semaphore_mem>>) src(%arg4 : memref<10000xf32, #tpu.memory_space<hbm>>) dst(%arg7 : memref<10000xf32, #tpu.memory_space<vmem>>)
      tpu.yield
    }) : () -> ()
    %barrier3A = arith.constant 0 : index
    tpu.barrier barrier_id(%barrier3A)
    %mul3A_25 = arith.constant 20000 : i32
    %mul3A_26 = arith.muli %arg1, %mul3A_25 : i32
    %scan3A_27 = arith.constant 0 : i32
    %scan3A_28 = arith.constant 0 : i32
    %scan3A_29 = arith.constant 5 : i32
    %scan3A_30 = arith.addi %scan3A_28, %scan3A_29 : i32
    %scan3A_31 = arith.constant 1 : i32
    %scan3A_32 = scf.for %scan3A_135 = %scan3A_28 to %scan3A_30 step %scan3A_31 iter_args(%scan3A_136 = %scan3A_27) -> (i32)  : i32 {
      %mul3A_137 = arith.constant 4000 : i32
      %mul3A_138 = arith.muli %scan3A_135, %mul3A_137 : i32
      %add3A_139 = arith.addi %mul3A_26, %mul3A_138 : i32
      "tpu.region"() ({
        %run_scoped3A = tpu.sem_alloc : memref<!tpu.dma_semaphore, #tpu.memory_space<semaphore_mem>>
        %dma_start3A = tpu.memref_slice %arg2[%add3A_139] : memref<320000xi32, #tpu.memory_space<hbm>> -> memref<4000xi32, #tpu.memory_space<hbm>>
        %dma_start3A_146 = tpu.memref_slice %arg2[%add3A_139] : memref<320000xi32, #tpu.memory_space<hbm>> -> memref<4000xi32, #tpu.memory_space<hbm>>
        tpu.enqueue_dma source(%dma_start3A_146 : memref<4000xi32, #tpu.memory_space<hbm>>) target(%arg8 : memref<4000xi32, #tpu.memory_space<vmem>>) target_semaphore(%run_scoped3A : memref<!tpu.dma_semaphore, #tpu.memory_space<semaphore_mem>>)
        %dma_wait3A = tpu.memref_slice %arg2[%add3A_139] : memref<320000xi32, #tpu.memory_space<hbm>> -> memref<4000xi32, #tpu.memory_space<hbm>>
        %dma_wait3A_147 = tpu.memref_slice %arg2[%add3A_139] : memref<320000xi32, #tpu.memory_space<hbm>> -> memref<4000xi32, #tpu.memory_space<hbm>>
        tpu.wait_dma2 semaphore(%run_scoped3A : memref<!tpu.dma_semaphore, #tpu.memory_space<semaphore_mem>>) src(%dma_wait3A_147 : memref<4000xi32, #tpu.memory_space<hbm>>) dst(%arg8 : memref<4000xi32, #tpu.memory_space<vmem>>)
        tpu.yield
      }) : () -> ()
      "tpu.region"() ({
        %run_scoped3A = tpu.sem_alloc : memref<!tpu.dma_semaphore, #tpu.memory_space<semaphore_mem>>
        %dma_start3A = tpu.memref_slice %arg3[%add3A_139] : memref<320000xi32, #tpu.memory_space<hbm>> -> memref<4000xi32, #tpu.memory_space<hbm>>
        %dma_start3A_146 = tpu.memref_slice %arg3[%add3A_139] : memref<320000xi32, #tpu.memory_space<hbm>> -> memref<4000xi32, #tpu.memory_space<hbm>>
        tpu.enqueue_dma source(%dma_start3A_146 : memref<4000xi32, #tpu.memory_space<hbm>>) target(%arg9 : memref<4000xi32, #tpu.memory_space<vmem>>) target_semaphore(%run_scoped3A : memref<!tpu.dma_semaphore, #tpu.memory_space<semaphore_mem>>)
        %dma_wait3A = tpu.memref_slice %arg3[%add3A_139] : memref<320000xi32, #tpu.memory_space<hbm>> -> memref<4000xi32, #tpu.memory_space<hbm>>
        %dma_wait3A_147 = tpu.memref_slice %arg3[%add3A_139] : memref<320000xi32, #tpu.memory_space<hbm>> -> memref<4000xi32, #tpu.memory_space<hbm>>
        tpu.wait_dma2 semaphore(%run_scoped3A : memref<!tpu.dma_semaphore, #tpu.memory_space<semaphore_mem>>) src(%dma_wait3A_147 : memref<4000xi32, #tpu.memory_space<hbm>>) dst(%arg9 : memref<4000xi32, #tpu.memory_space<vmem>>)
        tpu.yield
      }) : () -> ()
      %scan3A_140 = arith.constant 0 : i32
      %scan3A_141 = arith.constant 50 : i32
      %scan3A_142 = arith.addi %scan3A_140, %scan3A_141 : i32
      %scan3A_143 = arith.constant 1 : i32
      %scan3A_144 = scf.for %scan3A_146 = %scan3A_140 to %scan3A_142 step %scan3A_143 iter_args(%scan3A_147 = %scan3A_136) -> (i32)  : i32 {
        %mul3A_148 = arith.constant 80 : i32
        %mul3A_149 = arith.muli %scan3A_146, %mul3A_148 : i32
        %add3A_150 = arith.constant 0 : i32
        %add3A_151 = arith.addi %mul3A_149, %add3A_150 : i32
        %get3A = arith.index_cast %add3A_151 : i32 to index
        %get3A_152 = tpu.vector_load %arg9[%get3A] {strides = array<i32>} : memref<4000xi32, #tpu.memory_space<vmem>>, vector<16xi32>,
        %gather3A = tpu.vector_load_idx %arg7[%get3A_152] : memref<10000xf32, #tpu.memory_space<vmem>>[vector<16xi32>], vector<16xf32>,
        %gt3A = arith.constant 5.000000e-01 : f32
        %gt3A_153 = vector.broadcast %gt3A : f32 to vector<16xf32>
        %gt3A_154 = arith.cmpf ogt, %gather3A, %gt3A_153 : vector<16xf32>
        %mul3A_155 = arith.constant 80 : i32
        %mul3A_156 = arith.muli %scan3A_146, %mul3A_155 : i32
        %add3A_157 = arith.constant 16 : i32
        %add3A_158 = arith.addi %mul3A_156, %add3A_157 : i32
        %get3A_159 = arith.index_cast %add3A_158 : i32 to index
        %get3A_160 = tpu.vector_load %arg9[%get3A_159] {strides = array<i32>} : memref<4000xi32, #tpu.memory_space<vmem>>, vector<16xi32>,
        %gather3A_161 = tpu.vector_load_idx %arg7[%get3A_160] : memref<10000xf32, #tpu.memory_space<vmem>>[vector<16xi32>], vector<16xf32>,
        %gt3A_162 = arith.constant 5.000000e-01 : f32
        %gt3A_163 = vector.broadcast %gt3A_162 : f32 to vector<16xf32>
        %gt3A_164 = arith.cmpf ogt, %gather3A_161, %gt3A_163 : vector<16xf32>
        %or3A = arith.ori %gt3A_154, %gt3A_164 : vector<16xi1>
        %mul3A_165 = arith.constant 80 : i32
        %mul3A_166 = arith.muli %scan3A_146, %mul3A_165 : i32
        %add3A_167 = arith.constant 32 : i32
        %add3A_168 = arith.addi %mul3A_166, %add3A_167 : i32
        %get3A_169 = arith.index_cast %add3A_168 : i32 to index
        %get3A_170 = tpu.vector_load %arg9[%get3A_169] {strides = array<i32>} : memref<4000xi32, #tpu.memory_space<vmem>>, vector<16xi32>,
        %gather3A_171 = tpu.vector_load_idx %arg7[%get3A_170] : memref<10000xf32, #tpu.memory_space<vmem>>[vector<16xi32>], vector<16xf32>,
        %gt3A_172 = arith.constant 5.000000e-01 : f32
        %gt3A_173 = vector.broadcast %gt3A_172 : f32 to vector<16xf32>
        %gt3A_174 = arith.cmpf ogt, %gather3A_171, %gt3A_173 : vector<16xf32>
        %or3A_175 = arith.ori %or3A, %gt3A_174 : vector<16xi1>
        %mul3A_176 = arith.constant 80 : i32
        %mul3A_177 = arith.muli %scan3A_146, %mul3A_176 : i32
        %add3A_178 = arith.constant 48 : i32
        %add3A_179 = arith.addi %mul3A_177, %add3A_178 : i32
        %get3A_180 = arith.index_cast %add3A_179 : i32 to index
        %get3A_181 = tpu.vector_load %arg9[%get3A_180] {strides = array<i32>} : memref<4000xi32, #tpu.memory_space<vmem>>, vector<16xi32>,
        %gather3A_182 = tpu.vector_load_idx %arg7[%get3A_181] : memref<10000xf32, #tpu.memory_space<vmem>>[vector<16xi32>], vector<16xf32>,
        %gt3A_183 = arith.constant 5.000000e-01 : f32
        %gt3A_184 = vector.broadcast %gt3A_183 : f32 to vector<16xf32>
        %gt3A_185 = arith.cmpf ogt, %gather3A_182, %gt3A_184 : vector<16xf32>
        %or3A_186 = arith.ori %or3A_175, %gt3A_185 : vector<16xi1>
        %mul3A_187 = arith.constant 80 : i32
        %mul3A_188 = arith.muli %scan3A_146, %mul3A_187 : i32
        %add3A_189 = arith.constant 64 : i32
        %add3A_190 = arith.addi %mul3A_188, %add3A_189 : i32
        %get3A_191 = arith.index_cast %add3A_190 : i32 to index
        %get3A_192 = tpu.vector_load %arg9[%get3A_191] {strides = array<i32>} : memref<4000xi32, #tpu.memory_space<vmem>>, vector<16xi32>,
        %gather3A_193 = tpu.vector_load_idx %arg7[%get3A_192] : memref<10000xf32, #tpu.memory_space<vmem>>[vector<16xi32>], vector<16xf32>,
        %gt3A_194 = arith.constant 5.000000e-01 : f32
        %gt3A_195 = vector.broadcast %gt3A_194 : f32 to vector<16xf32>
        %gt3A_196 = arith.cmpf ogt, %gather3A_193, %gt3A_195 : vector<16xf32>
        %or3A_197 = arith.ori %or3A_186, %gt3A_196 : vector<16xi1>
        %all_reduce_population_count3A = tpu.all_reduce %or3A_197 {dim = 0 : i64, kind = #tpu.reduction_kind<sum>} : vector<16xi1> -> vector<16xi32>
        %slice3A = vector.extract_strided_slice %all_reduce_population_count3A {offsets = [0], sizes = [1], strides = [1]} : vector<16xi32> to vector<1xi32>
        %squeeze3A = vector.extract %slice3A[0] : i32 from vector<1xi32>
        %gt3A_198 = arith.constant 0 : i32
        %gt3A_199 = arith.cmpi sgt, %squeeze3A, %gt3A_198 : i32
        %convert_element_type3A_200 = arith.extui %gt3A_199 : i1 to i32
        %cond3A_201 = arith.constant 0 : i32
        %cond3A_202 = arith.cmpi ne, %convert_element_type3A_200, %cond3A_201 : i32
        %cond3A_203 = scf.if %cond3A_202 -> (i32) {
          %scan3A_204 = arith.constant 0 : i32
          %scan3A_205 = arith.constant 5 : i32
          %scan3A_206 = arith.addi %scan3A_204, %scan3A_205 : i32
          %scan3A_207 = arith.constant 1 : i32
          %scan3A_208 = scf.for %scan3A_210 = %scan3A_204 to %scan3A_206 step %scan3A_207 iter_args(%scan3A_211 = %scan3A_147) -> (i32)  : i32 {
            %mul3A_212 = arith.constant 80 : i32
            %mul3A_213 = arith.muli %scan3A_146, %mul3A_212 : i32
            %mul3A_214 = arith.constant 16 : i32
            %mul3A_215 = arith.muli %scan3A_210, %mul3A_214 : i32
            %add3A_216 = arith.addi %mul3A_213, %mul3A_215 : i32
            %get3A_217 = arith.index_cast %add3A_216 : i32 to index
            %get3A_218 = tpu.vector_load %arg8[%get3A_217] {strides = array<i32>} : memref<4000xi32, #tpu.memory_space<vmem>>, vector<16xi32>,
            %mul3A_219 = arith.constant 80 : i32
            %mul3A_220 = arith.muli %scan3A_146, %mul3A_219 : i32
            %mul3A_221 = arith.constant 16 : i32
            %mul3A_222 = arith.muli %scan3A_210, %mul3A_221 : i32
            %add3A_223 = arith.addi %mul3A_220, %mul3A_222 : i32
            %get3A_224 = arith.index_cast %add3A_223 : i32 to index
            %get3A_225 = tpu.vector_load %arg9[%get3A_224] {strides = array<i32>} : memref<4000xi32, #tpu.memory_space<vmem>>, vector<16xi32>,
            %gather3A_226 = tpu.vector_load_idx %arg7[%get3A_225] : memref<10000xf32, #tpu.memory_space<vmem>>[vector<16xi32>], vector<16xf32>,
            %gt3A_227 = arith.constant 5.000000e-01 : f32
            %gt3A_228 = vector.broadcast %gt3A_227 : f32 to vector<16xf32>
            %gt3A_229 = arith.cmpf ogt, %gather3A_226, %gt3A_228 : vector<16xf32>
            %ge3A = vector.broadcast %mul3A_0 : i32 to vector<16xi32>
            %ge3A_230 = arith.cmpi sge, %get3A_225, %ge3A : vector<16xi32>
            %and3A_231 = arith.andi %gt3A_229, %ge3A_230 : vector<16xi1>
            %add3A_232 = arith.constant 5000 : i32
            %add3A_233 = arith.addi %mul3A_0, %add3A_232 : i32
            %lt3A = vector.broadcast %add3A_233 : i32 to vector<16xi32>
            %lt3A_234 = arith.cmpi slt, %get3A_225, %lt3A : vector<16xi32>
            %and3A_235 = arith.andi %and3A_231, %lt3A_234 : vector<16xi1>
            %swap3A_236 = arith.index_cast %scan3A_211 : i32 to index
            %swap3A_237 = tpu.vector_load %arg10[%swap3A_236] masked %and3A_235 {strides = array<i32>} : memref<20160xi32, #tpu.memory_space<vmem>>, vector<16xi32>, vector<16xi1>
            tpu.vector_store %arg10[%swap3A_236], %get3A_218 masked %and3A_235 {strides = array<i32>} : memref<20160xi32, #tpu.memory_space<vmem>>, vector<16xi32>, vector<16xi1>
            %sub3A_238 = vector.broadcast %mul3A_0 : i32 to vector<16xi32>
            %sub3A_239 = arith.subi %get3A_225, %sub3A_238 : vector<16xi32>
            %swap3A_240 = arith.index_cast %scan3A_211 : i32 to index
            %swap3A_241 = tpu.vector_load %arg11[%swap3A_240] masked %and3A_235 {strides = array<i32>} : memref<20160xi32, #tpu.memory_space<vmem>>, vector<16xi32>, vector<16xi1>
            tpu.vector_store %arg11[%swap3A_240], %sub3A_239 masked %and3A_235 {strides = array<i32>} : memref<20160xi32, #tpu.memory_space<vmem>>, vector<16xi32>, vector<16xi1>
            %all_reduce_population_count3A_242 = tpu.all_reduce %and3A_235 {dim = 0 : i64, kind = #tpu.reduction_kind<sum>} : vector<16xi1> -> vector<16xi32>
            %slice3A_243 = vector.extract_strided_slice %all_reduce_population_count3A_242 {offsets = [0], sizes = [1], strides = [1]} : vector<16xi32> to vector<1xi32>
            %squeeze3A_244 = vector.extract %slice3A_243[0] : i32 from vector<1xi32>
            %add3A_245 = arith.addi %scan3A_211, %squeeze3A_244 : i32
            scf.yield %add3A_245 : i32
          }
          %scan3A_209 = arith.constant 5 : i32
          scf.yield %scan3A_208 : i32
        } else {
          scf.yield %scan3A_147 : i32
        }
        scf.yield %cond3A_203 : i32
      }
      %scan3A_145 = arith.constant 50 : i32
      scf.yield %scan3A_144 : i32
    }
    %scan3A_33 = arith.constant 5 : i32
    %add3A_34 = arith.constant 0 : i32
    %add3A_35 = arith.addi %scan3A_32, %add3A_34 : i32
    %swap3A = arith.index_cast %add3A_35 : i32 to index
    %swap3A_36 = tpu.vector_load %arg10[%swap3A] {strides = array<i32>} : memref<20160xi32, #tpu.memory_space<vmem>>, vector<16xi32>,
    tpu.vector_store %arg10[%swap3A], %broadcast_in_dim3A_5 {strides = array<i32>} : memref<20160xi32, #tpu.memory_space<vmem>>, vector<16xi32>,
    %add3A_37 = arith.constant 0 : i32
    %add3A_38 = arith.addi %scan3A_32, %add3A_37 : i32
    %swap3A_39 = arith.index_cast %add3A_38 : i32 to index
    %swap3A_40 = tpu.vector_load %arg11[%swap3A_39] {strides = array<i32>} : memref<20160xi32, #tpu.memory_space<vmem>>, vector<16xi32>,
    tpu.vector_store %arg11[%swap3A_39], %broadcast_in_dim3A_3 {strides = array<i32>} : memref<20160xi32, #tpu.memory_space<vmem>>, vector<16xi32>,
    %add3A_41 = arith.constant 16 : i32
    %add3A_42 = arith.addi %scan3A_32, %add3A_41 : i32
    %swap3A_43 = arith.index_cast %add3A_42 : i32 to index
    %swap3A_44 = tpu.vector_load %arg10[%swap3A_43] {strides = array<i32>} : memref<20160xi32, #tpu.memory_space<vmem>>, vector<16xi32>,
    tpu.vector_store %arg10[%swap3A_43], %broadcast_in_dim3A_5 {strides = array<i32>} : memref<20160xi32, #tpu.memory_space<vmem>>, vector<16xi32>,
    %add3A_45 = arith.constant 16 : i32
    %add3A_46 = arith.addi %scan3A_32, %add3A_45 : i32
    %swap3A_47 = arith.index_cast %add3A_46 : i32 to index
    %swap3A_48 = tpu.vector_load %arg11[%swap3A_47] {strides = array<i32>} : memref<20160xi32, #tpu.memory_space<vmem>>, vector<16xi32>,
    tpu.vector_store %arg11[%swap3A_47], %broadcast_in_dim3A_3 {strides = array<i32>} : memref<20160xi32, #tpu.memory_space<vmem>>, vector<16xi32>,
    %add3A_49 = arith.constant 32 : i32
    %add3A_50 = arith.addi %scan3A_32, %add3A_49 : i32
    %swap3A_51 = arith.index_cast %add3A_50 : i32 to index
    %swap3A_52 = tpu.vector_load %arg10[%swap3A_51] {strides = array<i32>} : memref<20160xi32, #tpu.memory_space<vmem>>, vector<16xi32>,
    tpu.vector_store %arg10[%swap3A_51], %broadcast_in_dim3A_5 {strides = array<i32>} : memref<20160xi32, #tpu.memory_space<vmem>>, vector<16xi32>,
    %add3A_53 = arith.constant 32 : i32
    %add3A_54 = arith.addi %scan3A_32, %add3A_53 : i32
    %swap3A_55 = arith.index_cast %add3A_54 : i32 to index
    %swap3A_56 = tpu.vector_load %arg11[%swap3A_55] {strides = array<i32>} : memref<20160xi32, #tpu.memory_space<vmem>>, vector<16xi32>,
    tpu.vector_store %arg11[%swap3A_55], %broadcast_in_dim3A_3 {strides = array<i32>} : memref<20160xi32, #tpu.memory_space<vmem>>, vector<16xi32>,
    %add3A_57 = arith.constant 48 : i32
    %add3A_58 = arith.addi %scan3A_32, %add3A_57 : i32
    %swap3A_59 = arith.index_cast %add3A_58 : i32 to index
    %swap3A_60 = tpu.vector_load %arg10[%swap3A_59] {strides = array<i32>} : memref<20160xi32, #tpu.memory_space<vmem>>, vector<16xi32>,
    tpu.vector_store %arg10[%swap3A_59], %broadcast_in_dim3A_5 {strides = array<i32>} : memref<20160xi32, #tpu.memory_space<vmem>>, vector<16xi32>,
    %add3A_61 = arith.constant 48 : i32
    %add3A_62 = arith.addi %scan3A_32, %add3A_61 : i32
    %swap3A_63 = arith.index_cast %add3A_62 : i32 to index
    %swap3A_64 = tpu.vector_load %arg11[%swap3A_63] {strides = array<i32>} : memref<20160xi32, #tpu.memory_space<vmem>>, vector<16xi32>,
    tpu.vector_store %arg11[%swap3A_63], %broadcast_in_dim3A_3 {strides = array<i32>} : memref<20160xi32, #tpu.memory_space<vmem>>, vector<16xi32>,
    %add3A_65 = arith.constant 64 : i32
    %add3A_66 = arith.addi %scan3A_32, %add3A_65 : i32
    %swap3A_67 = arith.index_cast %add3A_66 : i32 to index
    %swap3A_68 = tpu.vector_load %arg10[%swap3A_67] {strides = array<i32>} : memref<20160xi32, #tpu.memory_space<vmem>>, vector<16xi32>,
    tpu.vector_store %arg10[%swap3A_67], %broadcast_in_dim3A_5 {strides = array<i32>} : memref<20160xi32, #tpu.memory_space<vmem>>, vector<16xi32>,
    %add3A_69 = arith.constant 64 : i32
    %add3A_70 = arith.addi %scan3A_32, %add3A_69 : i32
    %swap3A_71 = arith.index_cast %add3A_70 : i32 to index
    %swap3A_72 = tpu.vector_load %arg11[%swap3A_71] {strides = array<i32>} : memref<20160xi32, #tpu.memory_space<vmem>>, vector<16xi32>,
    tpu.vector_store %arg11[%swap3A_71], %broadcast_in_dim3A_3 {strides = array<i32>} : memref<20160xi32, #tpu.memory_space<vmem>>, vector<16xi32>,
    %add3A_73 = arith.constant 80 : i32
    %add3A_74 = arith.addi %scan3A_32, %add3A_73 : i32
    %swap3A_75 = arith.index_cast %add3A_74 : i32 to index
    %swap3A_76 = tpu.vector_load %arg10[%swap3A_75] {strides = array<i32>} : memref<20160xi32, #tpu.memory_space<vmem>>, vector<16xi32>,
    tpu.vector_store %arg10[%swap3A_75], %broadcast_in_dim3A_5 {strides = array<i32>} : memref<20160xi32, #tpu.memory_space<vmem>>, vector<16xi32>,
    %add3A_77 = arith.constant 80 : i32
    %add3A_78 = arith.addi %scan3A_32, %add3A_77 : i32
    %swap3A_79 = arith.index_cast %add3A_78 : i32 to index
    %swap3A_80 = tpu.vector_load %arg11[%swap3A_79] {strides = array<i32>} : memref<20160xi32, #tpu.memory_space<vmem>>, vector<16xi32>,
    tpu.vector_store %arg11[%swap3A_79], %broadcast_in_dim3A_3 {strides = array<i32>} : memref<20160xi32, #tpu.memory_space<vmem>>, vector<16xi32>,
    %add3A_81 = arith.constant 96 : i32
    %add3A_82 = arith.addi %scan3A_32, %add3A_81 : i32
    %swap3A_83 = arith.index_cast %add3A_82 : i32 to index
    %swap3A_84 = tpu.vector_load %arg10[%swap3A_83] {strides = array<i32>} : memref<20160xi32, #tpu.memory_space<vmem>>, vector<16xi32>,
    tpu.vector_store %arg10[%swap3A_83], %broadcast_in_dim3A_5 {strides = array<i32>} : memref<20160xi32, #tpu.memory_space<vmem>>, vector<16xi32>,
    %add3A_85 = arith.constant 96 : i32
    %add3A_86 = arith.addi %scan3A_32, %add3A_85 : i32
    %swap3A_87 = arith.index_cast %add3A_86 : i32 to index
    %swap3A_88 = tpu.vector_load %arg11[%swap3A_87] {strides = array<i32>} : memref<20160xi32, #tpu.memory_space<vmem>>, vector<16xi32>,
    tpu.vector_store %arg11[%swap3A_87], %broadcast_in_dim3A_3 {strides = array<i32>} : memref<20160xi32, #tpu.memory_space<vmem>>, vector<16xi32>,
    %add3A_89 = arith.constant 112 : i32
    %add3A_90 = arith.addi %scan3A_32, %add3A_89 : i32
    %swap3A_91 = arith.index_cast %add3A_90 : i32 to index
    %swap3A_92 = tpu.vector_load %arg10[%swap3A_91] {strides = array<i32>} : memref<20160xi32, #tpu.memory_space<vmem>>, vector<16xi32>,
    tpu.vector_store %arg10[%swap3A_91], %broadcast_in_dim3A_5 {strides = array<i32>} : memref<20160xi32, #tpu.memory_space<vmem>>, vector<16xi32>,
    %add3A_93 = arith.constant 112 : i32
    %add3A_94 = arith.addi %scan3A_32, %add3A_93 : i32
    %swap3A_95 = arith.index_cast %add3A_94 : i32 to index
    %swap3A_96 = tpu.vector_load %arg11[%swap3A_95] {strides = array<i32>} : memref<20160xi32, #tpu.memory_space<vmem>>, vector<16xi32>,
    tpu.vector_store %arg11[%swap3A_95], %broadcast_in_dim3A_3 {strides = array<i32>} : memref<20160xi32, #tpu.memory_space<vmem>>, vector<16xi32>,
    %add3A_97 = arith.constant 127 : i32
    %add3A_98 = arith.addi %scan3A_32, %add3A_97 : i32
    %jit3A = arith.constant 128 : i32
    %div3A = arith.divsi %add3A_98, %jit3A : i32
    %sign3A = arith.constant 0 : i32
    %sign3A_99 = arith.cmpi sgt, %add3A_98, %sign3A : i32
    %sign3A_100 = arith.extui %sign3A_99 : i1 to i32
    %sign3A_101 = arith.constant 0 : i32
    %sign3A_102 = arith.cmpi slt, %add3A_98, %sign3A_101 : i32
    %sign3A_103 = arith.extui %sign3A_102 : i1 to i32
    %sign3A_104 = arith.subi %sign3A_100, %sign3A_103 : i32
    %sign3A_105 = arith.constant 0 : i32
    %sign3A_106 = arith.cmpi sgt, %jit3A, %sign3A_105 : i32
    %sign3A_107 = arith.extui %sign3A_106 : i1 to i32
    %sign3A_108 = arith.constant 0 : i32
    %sign3A_109 = arith.cmpi slt, %jit3A, %sign3A_108 : i32
    %sign3A_110 = arith.extui %sign3A_109 : i1 to i32
    %sign3A_111 = arith.subi %sign3A_107, %sign3A_110 : i32
    %ne3A = arith.cmpi ne, %sign3A_104, %sign3A_111 : i32
    %rem3A = arith.remsi %add3A_98, %jit3A : i32
    %ne3A_112 = arith.constant 0 : i32
    %ne3A_113 = arith.cmpi ne, %rem3A, %ne3A_112 : i32
    %and3A = arith.andi %ne3A, %ne3A_113 : i1
    %sub3A = arith.constant 1 : i32
    %sub3A_114 = arith.subi %div3A, %sub3A : i32
    %select_n3A = arith.select %and3A, %sub3A_114, %div3A : i32
    %while3A = arith.constant 0 : i32
    %while3A_115 = arith.constant 0 : i32
    %while3A_116 = arith.subi %select_n3A, %while3A : i32
    %while3A_117 = arith.addi %while3A, %while3A_116 : i32
    %while3A_118 = arith.constant 1 : i32
    %while3A_119 = arith.divsi %while3A_116, %while3A_118 : i32
    %while3A_120 = arith.muli %while3A_119, %while3A_118 : i32
    %while3A_121 = arith.addi %while3A, %while3A_120 : i32
    %while3A_122 = arith.constant 1 : i32
    %while3A_123 = scf.for %while3A_135 = %while3A to %while3A_121 step %while3A_122 iter_args(%while3A_136 = %while3A_115) -> (i32)  : i32 {
      %mul3A_137 = arith.constant 128 : i32
      %mul3A_138 = arith.muli %while3A_135, %mul3A_137 : i32
      %add3A_139 = arith.constant 0 : i32
      %add3A_140 = arith.addi %mul3A_138, %add3A_139 : i32
      %get3A = arith.index_cast %add3A_140 : i32 to index
      %get3A_141 = tpu.vector_load %arg10[%get3A] {strides = array<i32>} : memref<20160xi32, #tpu.memory_space<vmem>>, vector<16xi32>,
      %swap3A_142 = arith.constant 0 : index
      %swap3A_143 = tpu.vector_load %arg12[%swap3A_142] {strides = array<i32>} : memref<128xi32, #tpu.memory_space<vmem>>, vector<16xi32>,
      tpu.vector_store %arg12[%swap3A_142], %get3A_141 {strides = array<i32>} : memref<128xi32, #tpu.memory_space<vmem>>, vector<16xi32>,
      %mul3A_144 = arith.constant 128 : i32
      %mul3A_145 = arith.muli %while3A_135, %mul3A_144 : i32
      %add3A_146 = arith.constant 0 : i32
      %add3A_147 = arith.addi %mul3A_145, %add3A_146 : i32
      %get3A_148 = arith.index_cast %add3A_147 : i32 to index
      %get3A_149 = tpu.vector_load %arg11[%get3A_148] {strides = array<i32>} : memref<20160xi32, #tpu.memory_space<vmem>>, vector<16xi32>,
      %swap3A_150 = arith.constant 0 : index
      %swap3A_151 = tpu.vector_load %arg13[%swap3A_150] {strides = array<i32>} : memref<128xi32, #tpu.memory_space<vmem>>, vector<16xi32>,
      tpu.vector_store %arg13[%swap3A_150], %get3A_149 {strides = array<i32>} : memref<128xi32, #tpu.memory_space<vmem>>, vector<16xi32>,
      %mul3A_152 = arith.constant 128 : i32
      %mul3A_153 = arith.muli %while3A_135, %mul3A_152 : i32
      %add3A_154 = arith.constant 16 : i32
      %add3A_155 = arith.addi %mul3A_153, %add3A_154 : i32
      %get3A_156 = arith.index_cast %add3A_155 : i32 to index
      %get3A_157 = tpu.vector_load %arg10[%get3A_156] {strides = array<i32>} : memref<20160xi32, #tpu.memory_space<vmem>>, vector<16xi32>,
      %swap3A_158 = arith.constant 16 : index
      %swap3A_159 = tpu.vector_load %arg12[%swap3A_158] {strides = array<i32>} : memref<128xi32, #tpu.memory_space<vmem>>, vector<16xi32>,
      tpu.vector_store %arg12[%swap3A_158], %get3A_157 {strides = array<i32>} : memref<128xi32, #tpu.memory_space<vmem>>, vector<16xi32>,
      %mul3A_160 = arith.constant 128 : i32
      %mul3A_161 = arith.muli %while3A_135, %mul3A_160 : i32
      %add3A_162 = arith.constant 16 : i32
      %add3A_163 = arith.addi %mul3A_161, %add3A_162 : i32
      %get3A_164 = arith.index_cast %add3A_163 : i32 to index
      %get3A_165 = tpu.vector_load %arg11[%get3A_164] {strides = array<i32>} : memref<20160xi32, #tpu.memory_space<vmem>>, vector<16xi32>,
      %swap3A_166 = arith.constant 16 : index
      %swap3A_167 = tpu.vector_load %arg13[%swap3A_166] {strides = array<i32>} : memref<128xi32, #tpu.memory_space<vmem>>, vector<16xi32>,
      tpu.vector_store %arg13[%swap3A_166], %get3A_165 {strides = array<i32>} : memref<128xi32, #tpu.memory_space<vmem>>, vector<16xi32>,
      %mul3A_168 = arith.constant 128 : i32
      %mul3A_169 = arith.muli %while3A_135, %mul3A_168 : i32
      %add3A_170 = arith.constant 32 : i32
      %add3A_171 = arith.addi %mul3A_169, %add3A_170 : i32
      %get3A_172 = arith.index_cast %add3A_171 : i32 to index
      %get3A_173 = tpu.vector_load %arg10[%get3A_172] {strides = array<i32>} : memref<20160xi32, #tpu.memory_space<vmem>>, vector<16xi32>,
      %swap3A_174 = arith.constant 32 : index
      %swap3A_175 = tpu.vector_load %arg12[%swap3A_174] {strides = array<i32>} : memref<128xi32, #tpu.memory_space<vmem>>, vector<16xi32>,
      tpu.vector_store %arg12[%swap3A_174], %get3A_173 {strides = array<i32>} : memref<128xi32, #tpu.memory_space<vmem>>, vector<16xi32>,
      %mul3A_176 = arith.constant 128 : i32
      %mul3A_177 = arith.muli %while3A_135, %mul3A_176 : i32
      %add3A_178 = arith.constant 32 : i32
      %add3A_179 = arith.addi %mul3A_177, %add3A_178 : i32
      %get3A_180 = arith.index_cast %add3A_179 : i32 to index
      %get3A_181 = tpu.vector_load %arg11[%get3A_180] {strides = array<i32>} : memref<20160xi32, #tpu.memory_space<vmem>>, vector<16xi32>,
      %swap3A_182 = arith.constant 32 : index
      %swap3A_183 = tpu.vector_load %arg13[%swap3A_182] {strides = array<i32>} : memref<128xi32, #tpu.memory_space<vmem>>, vector<16xi32>,
      tpu.vector_store %arg13[%swap3A_182], %get3A_181 {strides = array<i32>} : memref<128xi32, #tpu.memory_space<vmem>>, vector<16xi32>,
      %mul3A_184 = arith.constant 128 : i32
      %mul3A_185 = arith.muli %while3A_135, %mul3A_184 : i32
      %add3A_186 = arith.constant 48 : i32
      %add3A_187 = arith.addi %mul3A_185, %add3A_186 : i32
      %get3A_188 = arith.index_cast %add3A_187 : i32 to index
      %get3A_189 = tpu.vector_load %arg10[%get3A_188] {strides = array<i32>} : memref<20160xi32, #tpu.memory_space<vmem>>, vector<16xi32>,
      %swap3A_190 = arith.constant 48 : index
      %swap3A_191 = tpu.vector_load %arg12[%swap3A_190] {strides = array<i32>} : memref<128xi32, #tpu.memory_space<vmem>>, vector<16xi32>,
      tpu.vector_store %arg12[%swap3A_190], %get3A_189 {strides = array<i32>} : memref<128xi32, #tpu.memory_space<vmem>>, vector<16xi32>,
      %mul3A_192 = arith.constant 128 : i32
      %mul3A_193 = arith.muli %while3A_135, %mul3A_192 : i32
      %add3A_194 = arith.constant 48 : i32
      %add3A_195 = arith.addi %mul3A_193, %add3A_194 : i32
      %get3A_196 = arith.index_cast %add3A_195 : i32 to index
      %get3A_197 = tpu.vector_load %arg11[%get3A_196] {strides = array<i32>} : memref<20160xi32, #tpu.memory_space<vmem>>, vector<16xi32>,
      %swap3A_198 = arith.constant 48 : index
      %swap3A_199 = tpu.vector_load %arg13[%swap3A_198] {strides = array<i32>} : memref<128xi32, #tpu.memory_space<vmem>>, vector<16xi32>,
      tpu.vector_store %arg13[%swap3A_198], %get3A_197 {strides = array<i32>} : memref<128xi32, #tpu.memory_space<vmem>>, vector<16xi32>,
      %mul3A_200 = arith.constant 128 : i32
      %mul3A_201 = arith.muli %while3A_135, %mul3A_200 : i32
      %add3A_202 = arith.constant 64 : i32
      %add3A_203 = arith.addi %mul3A_201, %add3A_202 : i32
      %get3A_204 = arith.index_cast %add3A_203 : i32 to index
      %get3A_205 = tpu.vector_load %arg10[%get3A_204] {strides = array<i32>} : memref<20160xi32, #tpu.memory_space<vmem>>, vector<16xi32>,
      %swap3A_206 = arith.constant 64 : index
      %swap3A_207 = tpu.vector_load %arg12[%swap3A_206] {strides = array<i32>} : memref<128xi32, #tpu.memory_space<vmem>>, vector<16xi32>,
      tpu.vector_store %arg12[%swap3A_206], %get3A_205 {strides = array<i32>} : memref<128xi32, #tpu.memory_space<vmem>>, vector<16xi32>,
      %mul3A_208 = arith.constant 128 : i32
      %mul3A_209 = arith.muli %while3A_135, %mul3A_208 : i32
      %add3A_210 = arith.constant 64 : i32
      %add3A_211 = arith.addi %mul3A_209, %add3A_210 : i32
      %get3A_212 = arith.index_cast %add3A_211 : i32 to index
      %get3A_213 = tpu.vector_load %arg11[%get3A_212] {strides = array<i32>} : memref<20160xi32, #tpu.memory_space<vmem>>, vector<16xi32>,
      %swap3A_214 = arith.constant 64 : index
      %swap3A_215 = tpu.vector_load %arg13[%swap3A_214] {strides = array<i32>} : memref<128xi32, #tpu.memory_space<vmem>>, vector<16xi32>,
      tpu.vector_store %arg13[%swap3A_214], %get3A_213 {strides = array<i32>} : memref<128xi32, #tpu.memory_space<vmem>>, vector<16xi32>,
      %mul3A_216 = arith.constant 128 : i32
      %mul3A_217 = arith.muli %while3A_135, %mul3A_216 : i32
      %add3A_218 = arith.constant 80 : i32
      %add3A_219 = arith.addi %mul3A_217, %add3A_218 : i32
      %get3A_220 = arith.index_cast %add3A_219 : i32 to index
      %get3A_221 = tpu.vector_load %arg10[%get3A_220] {strides = array<i32>} : memref<20160xi32, #tpu.memory_space<vmem>>, vector<16xi32>,
      %swap3A_222 = arith.constant 80 : index
      %swap3A_223 = tpu.vector_load %arg12[%swap3A_222] {strides = array<i32>} : memref<128xi32, #tpu.memory_space<vmem>>, vector<16xi32>,
      tpu.vector_store %arg12[%swap3A_222], %get3A_221 {strides = array<i32>} : memref<128xi32, #tpu.memory_space<vmem>>, vector<16xi32>,
      %mul3A_224 = arith.constant 128 : i32
      %mul3A_225 = arith.muli %while3A_135, %mul3A_224 : i32
      %add3A_226 = arith.constant 80 : i32
      %add3A_227 = arith.addi %mul3A_225, %add3A_226 : i32
      %get3A_228 = arith.index_cast %add3A_227 : i32 to index
      %get3A_229 = tpu.vector_load %arg11[%get3A_228] {strides = array<i32>} : memref<20160xi32, #tpu.memory_space<vmem>>, vector<16xi32>,
      %swap3A_230 = arith.constant 80 : index
      %swap3A_231 = tpu.vector_load %arg13[%swap3A_230] {strides = array<i32>} : memref<128xi32, #tpu.memory_space<vmem>>, vector<16xi32>,
      tpu.vector_store %arg13[%swap3A_230], %get3A_229 {strides = array<i32>} : memref<128xi32, #tpu.memory_space<vmem>>, vector<16xi32>,
      %mul3A_232 = arith.constant 128 : i32
      %mul3A_233 = arith.muli %while3A_135, %mul3A_232 : i32
      %add3A_234 = arith.constant 96 : i32
      %add3A_235 = arith.addi %mul3A_233, %add3A_234 : i32
      %get3A_236 = arith.index_cast %add3A_235 : i32 to index
      %get3A_237 = tpu.vector_load %arg10[%get3A_236] {strides = array<i32>} : memref<20160xi32, #tpu.memory_space<vmem>>, vector<16xi32>,
      %swap3A_238 = arith.constant 96 : index
      %swap3A_239 = tpu.vector_load %arg12[%swap3A_238] {strides = array<i32>} : memref<128xi32, #tpu.memory_space<vmem>>, vector<16xi32>,
      tpu.vector_store %arg12[%swap3A_238], %get3A_237 {strides = array<i32>} : memref<128xi32, #tpu.memory_space<vmem>>, vector<16xi32>,
      %mul3A_240 = arith.constant 128 : i32
      %mul3A_241 = arith.muli %while3A_135, %mul3A_240 : i32
      %add3A_242 = arith.constant 96 : i32
      %add3A_243 = arith.addi %mul3A_241, %add3A_242 : i32
      %get3A_244 = arith.index_cast %add3A_243 : i32 to index
      %get3A_245 = tpu.vector_load %arg11[%get3A_244] {strides = array<i32>} : memref<20160xi32, #tpu.memory_space<vmem>>, vector<16xi32>,
      %swap3A_246 = arith.constant 96 : index
      %swap3A_247 = tpu.vector_load %arg13[%swap3A_246] {strides = array<i32>} : memref<128xi32, #tpu.memory_space<vmem>>, vector<16xi32>,
      tpu.vector_store %arg13[%swap3A_246], %get3A_245 {strides = array<i32>} : memref<128xi32, #tpu.memory_space<vmem>>, vector<16xi32>,
      %mul3A_248 = arith.constant 128 : i32
      %mul3A_249 = arith.muli %while3A_135, %mul3A_248 : i32
      %add3A_250 = arith.constant 112 : i32
      %add3A_251 = arith.addi %mul3A_249, %add3A_250 : i32
      %get3A_252 = arith.index_cast %add3A_251 : i32 to index
      %get3A_253 = tpu.vector_load %arg10[%get3A_252] {strides = array<i32>} : memref<20160xi32, #tpu.memory_space<vmem>>, vector<16xi32>,
      %swap3A_254 = arith.constant 112 : index
      %swap3A_255 = tpu.vector_load %arg12[%swap3A_254] {strides = array<i32>} : memref<128xi32, #tpu.memory_space<vmem>>, vector<16xi32>,
      tpu.vector_store %arg12[%swap3A_254], %get3A_253 {strides = array<i32>} : memref<128xi32, #tpu.memory_space<vmem>>, vector<16xi32>,
      %mul3A_256 = arith.constant 128 : i32
      %mul3A_257 = arith.muli %while3A_135, %mul3A_256 : i32
      %add3A_258 = arith.constant 112 : i32
      %add3A_259 = arith.addi %mul3A_257, %add3A_258 : i32
      %get3A_260 = arith.index_cast %add3A_259 : i32 to index
      %get3A_261 = tpu.vector_load %arg11[%get3A_260] {strides = array<i32>} : memref<20160xi32, #tpu.memory_space<vmem>>, vector<16xi32>,
      %swap3A_262 = arith.constant 112 : index
      %swap3A_263 = tpu.vector_load %arg13[%swap3A_262] {strides = array<i32>} : memref<128xi32, #tpu.memory_space<vmem>>, vector<16xi32>,
      tpu.vector_store %arg13[%swap3A_262], %get3A_261 {strides = array<i32>} : memref<128xi32, #tpu.memory_space<vmem>>, vector<16xi32>,
      %dma_start3A = arith.constant 0 : i32
      %dma_start3A_264 = arith.constant 0 : i32
      %dma_start3A_265 = tpu.memref_slice %arg5[%dma_start3A, %dma_start3A_264] : memref<10000x128xf32, #tpu.memory_space<hbm>> -> memref<10000x128xf32, #tpu.memory_space<hbm>>
      tpu.enqueue_indirect_dma source(%dma_start3A_265 : memref<10000x128xf32, #tpu.memory_space<hbm>>) target(%arg14 : memref<128x128xf32, #tpu.memory_space<vmem>>) offsets(%arg12 : memref<128xi32, #tpu.memory_space<vmem>>) semaphore(%arg17 : memref<!tpu.dma_semaphore, #tpu.memory_space<semaphore_mem>>)
      %dma_wait3A = arith.constant 0 : i32
      %dma_wait3A_266 = arith.constant 0 : i32
      %dma_wait3A_267 = tpu.memref_slice %arg5[%dma_wait3A, %dma_wait3A_266] : memref<10000x128xf32, #tpu.memory_space<hbm>> -> memref<10000x128xf32, #tpu.memory_space<hbm>>
      tpu.wait_indirect_dma semaphore(%arg17 : memref<!tpu.dma_semaphore, #tpu.memory_space<semaphore_mem>>) src(%dma_wait3A_267 : memref<10000x128xf32, #tpu.memory_space<hbm>>) dst(%arg14 : memref<128x128xf32, #tpu.memory_space<vmem>>)
      "tpu.region"() ({
        %run_scoped3A = tpu.sem_alloc : memref<!tpu.dma_semaphore, #tpu.memory_space<semaphore_mem>>
        %dma_start3A_269 = arith.constant 0 : i32
        %dma_start3A_270 = arith.constant 0 : i32
        %dma_start3A_271 = tpu.memref_slice %arg16[%dma_start3A_269, %dma_start3A_270] : memref<5008x128xf32, #tpu.memory_space<vmem_shared>> -> memref<5008x128xf32, #tpu.memory_space<vmem_shared>>
        tpu.enqueue_indirect_dma source(%arg14 : memref<128x128xf32, #tpu.memory_space<vmem>>) target(%dma_start3A_271 : memref<5008x128xf32, #tpu.memory_space<vmem_shared>>) offsets(%arg13 : memref<128xi32, #tpu.memory_space<vmem>>) semaphore(%run_scoped3A : memref<!tpu.dma_semaphore, #tpu.memory_space<semaphore_mem>>) {add = true}
        %dma_wait3A_272 = arith.constant 0 : i32
        %dma_wait3A_273 = arith.constant 0 : i32
        %dma_wait3A_274 = tpu.memref_slice %arg16[%dma_wait3A_272, %dma_wait3A_273] : memref<5008x128xf32, #tpu.memory_space<vmem_shared>> -> memref<5008x128xf32, #tpu.memory_space<vmem_shared>>
        tpu.wait_indirect_dma semaphore(%run_scoped3A : memref<!tpu.dma_semaphore, #tpu.memory_space<semaphore_mem>>) src(%arg14 : memref<128x128xf32, #tpu.memory_space<vmem>>) dst(%dma_wait3A_274 : memref<5008x128xf32, #tpu.memory_space<vmem_shared>>)
        tpu.yield
      }) : () -> ()
      %while3A_268 = arith.constant 0 : i32
      scf.yield %while3A_268 : i32
    }
    %while3A_124 = arith.constant 1 : i32
    %while3A_125 = scf.for %while3A_135 = %while3A_121 to %while3A_117 step %while3A_124 iter_args(%while3A_136 = %while3A_123) -> (i32)  : i32 {
      %mul3A_137 = arith.constant 128 : i32
      %mul3A_138 = arith.muli %while3A_135, %mul3A_137 : i32
      %add3A_139 = arith.constant 0 : i32
      %add3A_140 = arith.addi %mul3A_138, %add3A_139 : i32
      %get3A = arith.index_cast %add3A_140 : i32 to index
      %get3A_141 = tpu.vector_load %arg10[%get3A] {strides = array<i32>} : memref<20160xi32, #tpu.memory_space<vmem>>, vector<16xi32>,
      %swap3A_142 = arith.constant 0 : index
      %swap3A_143 = tpu.vector_load %arg12[%swap3A_142] {strides = array<i32>} : memref<128xi32, #tpu.memory_space<vmem>>, vector<16xi32>,
      tpu.vector_store %arg12[%swap3A_142], %get3A_141 {strides = array<i32>} : memref<128xi32, #tpu.memory_space<vmem>>, vector<16xi32>,
      %mul3A_144 = arith.constant 128 : i32
      %mul3A_145 = arith.muli %while3A_135, %mul3A_144 : i32
      %add3A_146 = arith.constant 0 : i32
      %add3A_147 = arith.addi %mul3A_145, %add3A_146 : i32
      %get3A_148 = arith.index_cast %add3A_147 : i32 to index
      %get3A_149 = tpu.vector_load %arg11[%get3A_148] {strides = array<i32>} : memref<20160xi32, #tpu.memory_space<vmem>>, vector<16xi32>,
      %swap3A_150 = arith.constant 0 : index
      %swap3A_151 = tpu.vector_load %arg13[%swap3A_150] {strides = array<i32>} : memref<128xi32, #tpu.memory_space<vmem>>, vector<16xi32>,
      tpu.vector_store %arg13[%swap3A_150], %get3A_149 {strides = array<i32>} : memref<128xi32, #tpu.memory_space<vmem>>, vector<16xi32>,
      %mul3A_152 = arith.constant 128 : i32
      %mul3A_153 = arith.muli %while3A_135, %mul3A_152 : i32
      %add3A_154 = arith.constant 16 : i32
      %add3A_155 = arith.addi %mul3A_153, %add3A_154 : i32
      %get3A_156 = arith.index_cast %add3A_155 : i32 to index
      %get3A_157 = tpu.vector_load %arg10[%get3A_156] {strides = array<i32>} : memref<20160xi32, #tpu.memory_space<vmem>>, vector<16xi32>,
      %swap3A_158 = arith.constant 16 : index
      %swap3A_159 = tpu.vector_load %arg12[%swap3A_158] {strides = array<i32>} : memref<128xi32, #tpu.memory_space<vmem>>, vector<16xi32>,
      tpu.vector_store %arg12[%swap3A_158], %get3A_157 {strides = array<i32>} : memref<128xi32, #tpu.memory_space<vmem>>, vector<16xi32>,
      %mul3A_160 = arith.constant 128 : i32
      %mul3A_161 = arith.muli %while3A_135, %mul3A_160 : i32
      %add3A_162 = arith.constant 16 : i32
      %add3A_163 = arith.addi %mul3A_161, %add3A_162 : i32
      %get3A_164 = arith.index_cast %add3A_163 : i32 to index
      %get3A_165 = tpu.vector_load %arg11[%get3A_164] {strides = array<i32>} : memref<20160xi32, #tpu.memory_space<vmem>>, vector<16xi32>,
      %swap3A_166 = arith.constant 16 : index
      %swap3A_167 = tpu.vector_load %arg13[%swap3A_166] {strides = array<i32>} : memref<128xi32, #tpu.memory_space<vmem>>, vector<16xi32>,
      tpu.vector_store %arg13[%swap3A_166], %get3A_165 {strides = array<i32>} : memref<128xi32, #tpu.memory_space<vmem>>, vector<16xi32>,
      %mul3A_168 = arith.constant 128 : i32
      %mul3A_169 = arith.muli %while3A_135, %mul3A_168 : i32
      %add3A_170 = arith.constant 32 : i32
      %add3A_171 = arith.addi %mul3A_169, %add3A_170 : i32
      %get3A_172 = arith.index_cast %add3A_171 : i32 to index
      %get3A_173 = tpu.vector_load %arg10[%get3A_172] {strides = array<i32>} : memref<20160xi32, #tpu.memory_space<vmem>>, vector<16xi32>,
      %swap3A_174 = arith.constant 32 : index
      %swap3A_175 = tpu.vector_load %arg12[%swap3A_174] {strides = array<i32>} : memref<128xi32, #tpu.memory_space<vmem>>, vector<16xi32>,
      tpu.vector_store %arg12[%swap3A_174], %get3A_173 {strides = array<i32>} : memref<128xi32, #tpu.memory_space<vmem>>, vector<16xi32>,
      %mul3A_176 = arith.constant 128 : i32
      %mul3A_177 = arith.muli %while3A_135, %mul3A_176 : i32
      %add3A_178 = arith.constant 32 : i32
      %add3A_179 = arith.addi %mul3A_177, %add3A_178 : i32
      %get3A_180 = arith.index_cast %add3A_179 : i32 to index
      %get3A_181 = tpu.vector_load %arg11[%get3A_180] {strides = array<i32>} : memref<20160xi32, #tpu.memory_space<vmem>>, vector<16xi32>,
      %swap3A_182 = arith.constant 32 : index
      %swap3A_183 = tpu.vector_load %arg13[%swap3A_182] {strides = array<i32>} : memref<128xi32, #tpu.memory_space<vmem>>, vector<16xi32>,
      tpu.vector_store %arg13[%swap3A_182], %get3A_181 {strides = array<i32>} : memref<128xi32, #tpu.memory_space<vmem>>, vector<16xi32>,
      %mul3A_184 = arith.constant 128 : i32
      %mul3A_185 = arith.muli %while3A_135, %mul3A_184 : i32
      %add3A_186 = arith.constant 48 : i32
      %add3A_187 = arith.addi %mul3A_185, %add3A_186 : i32
      %get3A_188 = arith.index_cast %add3A_187 : i32 to index
      %get3A_189 = tpu.vector_load %arg10[%get3A_188] {strides = array<i32>} : memref<20160xi32, #tpu.memory_space<vmem>>, vector<16xi32>,
      %swap3A_190 = arith.constant 48 : index
      %swap3A_191 = tpu.vector_load %arg12[%swap3A_190] {strides = array<i32>} : memref<128xi32, #tpu.memory_space<vmem>>, vector<16xi32>,
      tpu.vector_store %arg12[%swap3A_190], %get3A_189 {strides = array<i32>} : memref<128xi32, #tpu.memory_space<vmem>>, vector<16xi32>,
      %mul3A_192 = arith.constant 128 : i32
      %mul3A_193 = arith.muli %while3A_135, %mul3A_192 : i32
      %add3A_194 = arith.constant 48 : i32
      %add3A_195 = arith.addi %mul3A_193, %add3A_194 : i32
      %get3A_196 = arith.index_cast %add3A_195 : i32 to index
      %get3A_197 = tpu.vector_load %arg11[%get3A_196] {strides = array<i32>} : memref<20160xi32, #tpu.memory_space<vmem>>, vector<16xi32>,
      %swap3A_198 = arith.constant 48 : index
      %swap3A_199 = tpu.vector_load %arg13[%swap3A_198] {strides = array<i32>} : memref<128xi32, #tpu.memory_space<vmem>>, vector<16xi32>,
      tpu.vector_store %arg13[%swap3A_198], %get3A_197 {strides = array<i32>} : memref<128xi32, #tpu.memory_space<vmem>>, vector<16xi32>,
      %mul3A_200 = arith.constant 128 : i32
      %mul3A_201 = arith.muli %while3A_135, %mul3A_200 : i32
      %add3A_202 = arith.constant 64 : i32
      %add3A_203 = arith.addi %mul3A_201, %add3A_202 : i32
      %get3A_204 = arith.index_cast %add3A_203 : i32 to index
      %get3A_205 = tpu.vector_load %arg10[%get3A_204] {strides = array<i32>} : memref<20160xi32, #tpu.memory_space<vmem>>, vector<16xi32>,
      %swap3A_206 = arith.constant 64 : index
      %swap3A_207 = tpu.vector_load %arg12[%swap3A_206] {strides = array<i32>} : memref<128xi32, #tpu.memory_space<vmem>>, vector<16xi32>,
      tpu.vector_store %arg12[%swap3A_206], %get3A_205 {strides = array<i32>} : memref<128xi32, #tpu.memory_space<vmem>>, vector<16xi32>,
      %mul3A_208 = arith.constant 128 : i32
      %mul3A_209 = arith.muli %while3A_135, %mul3A_208 : i32
      %add3A_210 = arith.constant 64 : i32
      %add3A_211 = arith.addi %mul3A_209, %add3A_210 : i32
      %get3A_212 = arith.index_cast %add3A_211 : i32 to index
      %get3A_213 = tpu.vector_load %arg11[%get3A_212] {strides = array<i32>} : memref<20160xi32, #tpu.memory_space<vmem>>, vector<16xi32>,
      %swap3A_214 = arith.constant 64 : index
      %swap3A_215 = tpu.vector_load %arg13[%swap3A_214] {strides = array<i32>} : memref<128xi32, #tpu.memory_space<vmem>>, vector<16xi32>,
      tpu.vector_store %arg13[%swap3A_214], %get3A_213 {strides = array<i32>} : memref<128xi32, #tpu.memory_space<vmem>>, vector<16xi32>,
      %mul3A_216 = arith.constant 128 : i32
      %mul3A_217 = arith.muli %while3A_135, %mul3A_216 : i32
      %add3A_218 = arith.constant 80 : i32
      %add3A_219 = arith.addi %mul3A_217, %add3A_218 : i32
      %get3A_220 = arith.index_cast %add3A_219 : i32 to index
      %get3A_221 = tpu.vector_load %arg10[%get3A_220] {strides = array<i32>} : memref<20160xi32, #tpu.memory_space<vmem>>, vector<16xi32>,
      %swap3A_222 = arith.constant 80 : index
      %swap3A_223 = tpu.vector_load %arg12[%swap3A_222] {strides = array<i32>} : memref<128xi32, #tpu.memory_space<vmem>>, vector<16xi32>,
      tpu.vector_store %arg12[%swap3A_222], %get3A_221 {strides = array<i32>} : memref<128xi32, #tpu.memory_space<vmem>>, vector<16xi32>,
      %mul3A_224 = arith.constant 128 : i32
      %mul3A_225 = arith.muli %while3A_135, %mul3A_224 : i32
      %add3A_226 = arith.constant 80 : i32
      %add3A_227 = arith.addi %mul3A_225, %add3A_226 : i32
      %get3A_228 = arith.index_cast %add3A_227 : i32 to index
      %get3A_229 = tpu.vector_load %arg11[%get3A_228] {strides = array<i32>} : memref<20160xi32, #tpu.memory_space<vmem>>, vector<16xi32>,
      %swap3A_230 = arith.constant 80 : index
      %swap3A_231 = tpu.vector_load %arg13[%swap3A_230] {strides = array<i32>} : memref<128xi32, #tpu.memory_space<vmem>>, vector<16xi32>,
      tpu.vector_store %arg13[%swap3A_230], %get3A_229 {strides = array<i32>} : memref<128xi32, #tpu.memory_space<vmem>>, vector<16xi32>,
      %mul3A_232 = arith.constant 128 : i32
      %mul3A_233 = arith.muli %while3A_135, %mul3A_232 : i32
      %add3A_234 = arith.constant 96 : i32
      %add3A_235 = arith.addi %mul3A_233, %add3A_234 : i32
      %get3A_236 = arith.index_cast %add3A_235 : i32 to index
      %get3A_237 = tpu.vector_load %arg10[%get3A_236] {strides = array<i32>} : memref<20160xi32, #tpu.memory_space<vmem>>, vector<16xi32>,
      %swap3A_238 = arith.constant 96 : index
      %swap3A_239 = tpu.vector_load %arg12[%swap3A_238] {strides = array<i32>} : memref<128xi32, #tpu.memory_space<vmem>>, vector<16xi32>,
      tpu.vector_store %arg12[%swap3A_238], %get3A_237 {strides = array<i32>} : memref<128xi32, #tpu.memory_space<vmem>>, vector<16xi32>,
      %mul3A_240 = arith.constant 128 : i32
      %mul3A_241 = arith.muli %while3A_135, %mul3A_240 : i32
      %add3A_242 = arith.constant 96 : i32
      %add3A_243 = arith.addi %mul3A_241, %add3A_242 : i32
      %get3A_244 = arith.index_cast %add3A_243 : i32 to index
      %get3A_245 = tpu.vector_load %arg11[%get3A_244] {strides = array<i32>} : memref<20160xi32, #tpu.memory_space<vmem>>, vector<16xi32>,
      %swap3A_246 = arith.constant 96 : index
      %swap3A_247 = tpu.vector_load %arg13[%swap3A_246] {strides = array<i32>} : memref<128xi32, #tpu.memory_space<vmem>>, vector<16xi32>,
      tpu.vector_store %arg13[%swap3A_246], %get3A_245 {strides = array<i32>} : memref<128xi32, #tpu.memory_space<vmem>>, vector<16xi32>,
      %mul3A_248 = arith.constant 128 : i32
      %mul3A_249 = arith.muli %while3A_135, %mul3A_248 : i32
      %add3A_250 = arith.constant 112 : i32
      %add3A_251 = arith.addi %mul3A_249, %add3A_250 : i32
      %get3A_252 = arith.index_cast %add3A_251 : i32 to index
      %get3A_253 = tpu.vector_load %arg10[%get3A_252] {strides = array<i32>} : memref<20160xi32, #tpu.memory_space<vmem>>, vector<16xi32>,
      %swap3A_254 = arith.constant 112 : index
      %swap3A_255 = tpu.vector_load %arg12[%swap3A_254] {strides = array<i32>} : memref<128xi32, #tpu.memory_space<vmem>>, vector<16xi32>,
      tpu.vector_store %arg12[%swap3A_254], %get3A_253 {strides = array<i32>} : memref<128xi32, #tpu.memory_space<vmem>>, vector<16xi32>,
      %mul3A_256 = arith.constant 128 : i32
      %mul3A_257 = arith.muli %while3A_135, %mul3A_256 : i32
      %add3A_258 = arith.constant 112 : i32
      %add3A_259 = arith.addi %mul3A_257, %add3A_258 : i32
      %get3A_260 = arith.index_cast %add3A_259 : i32 to index
      %get3A_261 = tpu.vector_load %arg11[%get3A_260] {strides = array<i32>} : memref<20160xi32, #tpu.memory_space<vmem>>, vector<16xi32>,
      %swap3A_262 = arith.constant 112 : index
      %swap3A_263 = tpu.vector_load %arg13[%swap3A_262] {strides = array<i32>} : memref<128xi32, #tpu.memory_space<vmem>>, vector<16xi32>,
      tpu.vector_store %arg13[%swap3A_262], %get3A_261 {strides = array<i32>} : memref<128xi32, #tpu.memory_space<vmem>>, vector<16xi32>,
      %dma_start3A = arith.constant 0 : i32
      %dma_start3A_264 = arith.constant 0 : i32
      %dma_start3A_265 = tpu.memref_slice %arg5[%dma_start3A, %dma_start3A_264] : memref<10000x128xf32, #tpu.memory_space<hbm>> -> memref<10000x128xf32, #tpu.memory_space<hbm>>
      tpu.enqueue_indirect_dma source(%dma_start3A_265 : memref<10000x128xf32, #tpu.memory_space<hbm>>) target(%arg14 : memref<128x128xf32, #tpu.memory_space<vmem>>) offsets(%arg12 : memref<128xi32, #tpu.memory_space<vmem>>) semaphore(%arg17 : memref<!tpu.dma_semaphore, #tpu.memory_space<semaphore_mem>>)
      %dma_wait3A = arith.constant 0 : i32
      %dma_wait3A_266 = arith.constant 0 : i32
      %dma_wait3A_267 = tpu.memref_slice %arg5[%dma_wait3A, %dma_wait3A_266] : memref<10000x128xf32, #tpu.memory_space<hbm>> -> memref<10000x128xf32, #tpu.memory_space<hbm>>
      tpu.wait_indirect_dma semaphore(%arg17 : memref<!tpu.dma_semaphore, #tpu.memory_space<semaphore_mem>>) src(%dma_wait3A_267 : memref<10000x128xf32, #tpu.memory_space<hbm>>) dst(%arg14 : memref<128x128xf32, #tpu.memory_space<vmem>>)
      "tpu.region"() ({
        %run_scoped3A = tpu.sem_alloc : memref<!tpu.dma_semaphore, #tpu.memory_space<semaphore_mem>>
        %dma_start3A_269 = arith.constant 0 : i32
        %dma_start3A_270 = arith.constant 0 : i32
        %dma_start3A_271 = tpu.memref_slice %arg16[%dma_start3A_269, %dma_start3A_270] : memref<5008x128xf32, #tpu.memory_space<vmem_shared>> -> memref<5008x128xf32, #tpu.memory_space<vmem_shared>>
        tpu.enqueue_indirect_dma source(%arg14 : memref<128x128xf32, #tpu.memory_space<vmem>>) target(%dma_start3A_271 : memref<5008x128xf32, #tpu.memory_space<vmem_shared>>) offsets(%arg13 : memref<128xi32, #tpu.memory_space<vmem>>) semaphore(%run_scoped3A : memref<!tpu.dma_semaphore, #tpu.memory_space<semaphore_mem>>) {add = true}
        %dma_wait3A_272 = arith.constant 0 : i32
        %dma_wait3A_273 = arith.constant 0 : i32
        %dma_wait3A_274 = tpu.memref_slice %arg16[%dma_wait3A_272, %dma_wait3A_273] : memref<5008x128xf32, #tpu.memory_space<vmem_shared>> -> memref<5008x128xf32, #tpu.memory_space<vmem_shared>>
        tpu.wait_indirect_dma semaphore(%run_scoped3A : memref<!tpu.dma_semaphore, #tpu.memory_space<semaphore_mem>>) src(%arg14 : memref<128x128xf32, #tpu.memory_space<vmem>>) dst(%dma_wait3A_274 : memref<5008x128xf32, #tpu.memory_space<vmem_shared>>)
        tpu.yield
      }) : () -> ()
      %while3A_268 = arith.constant 0 : i32
      scf.yield %while3A_268 : i32
    }
    %barrier3A_126 = arith.constant 0 : index
    tpu.barrier barrier_id(%barrier3A_126)
    %mul3A_127 = arith.constant 312 : i32
    %mul3A_128 = arith.muli %arg1, %mul3A_127 : i32
    %add3A_129 = arith.addi %mul3A_0, %mul3A_128 : i32
    "tpu.region"() ({
      %run_scoped3A = tpu.sem_alloc : memref<!tpu.dma_semaphore, #tpu.memory_space<semaphore_mem>>
      %dma_start3A = arith.constant 0 : i32
      %dma_start3A_135 = tpu.memref_slice %arg6[%add3A_129, %dma_start3A] : memref<10000x128xf32, #tpu.memory_space<hbm>> -> memref<312x128xf32, #tpu.memory_space<hbm>>
      %dma_start3A_136 = arith.constant 0 : i32
      %dma_start3A_137 = tpu.memref_slice %arg16[%mul3A_128, %dma_start3A_136] : memref<5008x128xf32, #tpu.memory_space<vmem_shared>> -> memref<312x128xf32, #tpu.memory_space<vmem_shared>>
      tpu.enqueue_dma source(%dma_start3A_137 : memref<312x128xf32, #tpu.memory_space<vmem_shared>>) target(%dma_start3A_135 : memref<312x128xf32, #tpu.memory_space<hbm>>) target_semaphore(%run_scoped3A : memref<!tpu.dma_semaphore, #tpu.memory_space<semaphore_mem>>)
      %dma_wait3A = arith.constant 0 : i32
      %dma_wait3A_138 = tpu.memref_slice %arg6[%add3A_129, %dma_wait3A] : memref<10000x128xf32, #tpu.memory_space<hbm>> -> memref<312x128xf32, #tpu.memory_space<hbm>>
      %dma_wait3A_139 = arith.constant 0 : i32
      %dma_wait3A_140 = tpu.memref_slice %arg16[%mul3A_128, %dma_wait3A_139] : memref<5008x128xf32, #tpu.memory_space<vmem_shared>> -> memref<312x128xf32, #tpu.memory_space<vmem_shared>>
      tpu.wait_dma2 semaphore(%run_scoped3A : memref<!tpu.dma_semaphore, #tpu.memory_space<semaphore_mem>>) src(%dma_wait3A_140 : memref<312x128xf32, #tpu.memory_space<vmem_shared>>) dst(%dma_wait3A_138 : memref<312x128xf32, #tpu.memory_space<hbm>>)
      tpu.yield
    }) : () -> ()
    %eq3A_130 = arith.constant 0 : i32
    %eq3A_131 = arith.cmpi eq, %arg1, %eq3A_130 : i32
    %convert_element_type3A_132 = arith.extui %eq3A_131 : i1 to i32
    %cond3A_133 = arith.constant 0 : i32
    %cond3A_134 = arith.cmpi ne, %convert_element_type3A_132, %cond3A_133 : i32
    scf.if %cond3A_134 {
      %add3A_135 = arith.constant 4992 : i32
      %add3A_136 = arith.addi %mul3A_0, %add3A_135 : i32
      "tpu.region"() ({
        %run_scoped3A = tpu.sem_alloc : memref<!tpu.dma_semaphore, #tpu.memory_space<semaphore_mem>>
        %dma_start3A = arith.constant 0 : i32
        %dma_start3A_137 = tpu.memref_slice %arg6[%add3A_136, %dma_start3A] : memref<10000x128xf32, #tpu.memory_space<hbm>> -> memref<8x128xf32, #tpu.memory_space<hbm>>
        %dma_start3A_138 = arith.constant 4992 : i32
        %dma_start3A_139 = arith.constant 0 : i32
        %dma_start3A_140 = tpu.memref_slice %arg16[%dma_start3A_138, %dma_start3A_139] : memref<5008x128xf32, #tpu.memory_space<vmem_shared>> -> memref<8x128xf32, #tpu.memory_space<vmem_shared>>
        tpu.enqueue_dma source(%dma_start3A_140 : memref<8x128xf32, #tpu.memory_space<vmem_shared>>) target(%dma_start3A_137 : memref<8x128xf32, #tpu.memory_space<hbm>>) target_semaphore(%run_scoped3A : memref<!tpu.dma_semaphore, #tpu.memory_space<semaphore_mem>>)
        %dma_wait3A = arith.constant 0 : i32
        %dma_wait3A_141 = tpu.memref_slice %arg6[%add3A_136, %dma_wait3A] : memref<10000x128xf32, #tpu.memory_space<hbm>> -> memref<8x128xf32, #tpu.memory_space<hbm>>
        %dma_wait3A_142 = arith.constant 4992 : i32
        %dma_wait3A_143 = arith.constant 0 : i32
        %dma_wait3A_144 = tpu.memref_slice %arg16[%dma_wait3A_142, %dma_wait3A_143] : memref<5008x128xf32, #tpu.memory_space<vmem_shared>> -> memref<8x128xf32, #tpu.memory_space<vmem_shared>>
        tpu.wait_dma2 semaphore(%run_scoped3A : memref<!tpu.dma_semaphore, #tpu.memory_space<semaphore_mem>>) src(%dma_wait3A_144 : memref<8x128xf32, #tpu.memory_space<vmem_shared>>) dst(%dma_wait3A_141 : memref<8x128xf32, #tpu.memory_space<hbm>>)
        tpu.yield
      }) : () -> ()
    } else {
    }
    return
  }
}

#map = affine_map<(d0, d1) -> (0)>
#map1 = affine_map<(d0, d1) -> (0, 0)>
module attributes {stable_mosaic.version = 14 : i64} {
  func.func @_hist_body(%arg0: i32, %arg1: i32, %arg2: memref<320000xi32, #tpu.memory_space<hbm>>, %arg3: memref<320000xi32, #tpu.memory_space<hbm>>, %arg4: memref<32x30000xf32, #tpu.memory_space<hbm>>, %arg5: memref<30000xf32, #tpu.memory_space<vmem>>, %arg6: memref<2000xi32, #tpu.memory_space<vmem>>, %arg7: memref<2000xi32, #tpu.memory_space<vmem>>) attributes {dimension_semantics = [#tpu.dimension_semantics<core_parallel>, #tpu.dimension_semantics<subcore_parallel>], iteration_bounds = array<i64: 2, 16>, scalar_prefetch = 0 : i64, scratch_operands = 3 : i64, tpu.core_type = #tpu.core_type<sc_vector_subcore>, window_params = [{transform_indices = #map}, {transform_indices = #map}, {transform_indices = #map1}]} {
    %mul3A = arith.constant 16 : i32
    %mul3A_0 = arith.muli %arg0, %mul3A : i32
    %add3A = arith.addi %mul3A_0, %arg1 : i32
    %broadcast_in_dim3A = arith.constant 0.000000e+00 : f32
    %broadcast_in_dim3A_1 = vector.broadcast %broadcast_in_dim3A : f32 to vector<16xf32>
    %broadcast_in_dim3A_2 = arith.constant 1.000000e+00 : f32
    %broadcast_in_dim3A_3 = vector.broadcast %broadcast_in_dim3A_2 : f32 to vector<16xf32>
    %scan3A = arith.constant 0 : i32
    %scan3A_4 = arith.constant 0 : i32
    %scan3A_5 = arith.constant 1875 : i32
    %scan3A_6 = arith.addi %scan3A_4, %scan3A_5 : i32
    %scan3A_7 = arith.constant 1 : i32
    %scan3A_8 = scf.for %scan3A_19 = %scan3A_4 to %scan3A_6 step %scan3A_7 iter_args(%scan3A_20 = %scan3A) -> (i32)  : i32 {
      %mul3A_21 = arith.constant 16 : i32
      %mul3A_22 = arith.muli %scan3A_19, %mul3A_21 : i32
      %swap3A = arith.index_cast %mul3A_22 : i32 to index
      %swap3A_23 = tpu.vector_load %arg5[%swap3A] {strides = array<i32>} : memref<30000xf32, #tpu.memory_space<vmem>>, vector<16xf32>,
      tpu.vector_store %arg5[%swap3A], %broadcast_in_dim3A_1 {strides = array<i32>} : memref<30000xf32, #tpu.memory_space<vmem>>, vector<16xf32>,
      %scan3A_24 = arith.constant 0 : i32
      scf.yield %scan3A_24 : i32
    }
    %scan3A_9 = arith.constant 1875 : i32
    %mul3A_10 = arith.constant 10000 : i32
    %mul3A_11 = arith.muli %add3A, %mul3A_10 : i32
    %scan3A_12 = arith.constant 0 : i32
    %scan3A_13 = arith.constant 0 : i32
    %scan3A_14 = arith.constant 5 : i32
    %scan3A_15 = arith.addi %scan3A_13, %scan3A_14 : i32
    %scan3A_16 = arith.constant 1 : i32
    %scan3A_17 = scf.for %scan3A_19 = %scan3A_13 to %scan3A_15 step %scan3A_16 iter_args(%scan3A_20 = %scan3A_12) -> (i32)  : i32 {
      %mul3A_21 = arith.constant 2000 : i32
      %mul3A_22 = arith.muli %scan3A_19, %mul3A_21 : i32
      %add3A_23 = arith.addi %mul3A_11, %mul3A_22 : i32
      "tpu.region"() ({
        %run_scoped3A = tpu.sem_alloc : memref<!tpu.dma_semaphore, #tpu.memory_space<semaphore_mem>>
        %dma_start3A = tpu.memref_slice %arg2[%add3A_23] : memref<320000xi32, #tpu.memory_space<hbm>> -> memref<2000xi32, #tpu.memory_space<hbm>>
        %dma_start3A_32 = tpu.memref_slice %arg2[%add3A_23] : memref<320000xi32, #tpu.memory_space<hbm>> -> memref<2000xi32, #tpu.memory_space<hbm>>
        tpu.enqueue_dma source(%dma_start3A_32 : memref<2000xi32, #tpu.memory_space<hbm>>) target(%arg6 : memref<2000xi32, #tpu.memory_space<vmem>>) target_semaphore(%run_scoped3A : memref<!tpu.dma_semaphore, #tpu.memory_space<semaphore_mem>>)
        %dma_wait3A = tpu.memref_slice %arg2[%add3A_23] : memref<320000xi32, #tpu.memory_space<hbm>> -> memref<2000xi32, #tpu.memory_space<hbm>>
        %dma_wait3A_33 = tpu.memref_slice %arg2[%add3A_23] : memref<320000xi32, #tpu.memory_space<hbm>> -> memref<2000xi32, #tpu.memory_space<hbm>>
        tpu.wait_dma2 semaphore(%run_scoped3A : memref<!tpu.dma_semaphore, #tpu.memory_space<semaphore_mem>>) src(%dma_wait3A_33 : memref<2000xi32, #tpu.memory_space<hbm>>) dst(%arg6 : memref<2000xi32, #tpu.memory_space<vmem>>)
        tpu.yield
      }) : () -> ()
      "tpu.region"() ({
        %run_scoped3A = tpu.sem_alloc : memref<!tpu.dma_semaphore, #tpu.memory_space<semaphore_mem>>
        %dma_start3A = tpu.memref_slice %arg3[%add3A_23] : memref<320000xi32, #tpu.memory_space<hbm>> -> memref<2000xi32, #tpu.memory_space<hbm>>
        %dma_start3A_32 = tpu.memref_slice %arg3[%add3A_23] : memref<320000xi32, #tpu.memory_space<hbm>> -> memref<2000xi32, #tpu.memory_space<hbm>>
        tpu.enqueue_dma source(%dma_start3A_32 : memref<2000xi32, #tpu.memory_space<hbm>>) target(%arg7 : memref<2000xi32, #tpu.memory_space<vmem>>) target_semaphore(%run_scoped3A : memref<!tpu.dma_semaphore, #tpu.memory_space<semaphore_mem>>)
        %dma_wait3A = tpu.memref_slice %arg3[%add3A_23] : memref<320000xi32, #tpu.memory_space<hbm>> -> memref<2000xi32, #tpu.memory_space<hbm>>
        %dma_wait3A_33 = tpu.memref_slice %arg3[%add3A_23] : memref<320000xi32, #tpu.memory_space<hbm>> -> memref<2000xi32, #tpu.memory_space<hbm>>
        tpu.wait_dma2 semaphore(%run_scoped3A : memref<!tpu.dma_semaphore, #tpu.memory_space<semaphore_mem>>) src(%dma_wait3A_33 : memref<2000xi32, #tpu.memory_space<hbm>>) dst(%arg7 : memref<2000xi32, #tpu.memory_space<vmem>>)
        tpu.yield
      }) : () -> ()
      %scan3A_24 = arith.constant 0 : i32
      %scan3A_25 = arith.constant 0 : i32
      %scan3A_26 = arith.constant 125 : i32
      %scan3A_27 = arith.addi %scan3A_25, %scan3A_26 : i32
      %scan3A_28 = arith.constant 1 : i32
      %scan3A_29 = scf.for %scan3A_32 = %scan3A_25 to %scan3A_27 step %scan3A_28 iter_args(%scan3A_33 = %scan3A_24) -> (i32)  : i32 {
        %mul3A_34 = arith.constant 16 : i32
        %mul3A_35 = arith.muli %scan3A_32, %mul3A_34 : i32
        %get3A = arith.index_cast %mul3A_35 : i32 to index
        %get3A_36 = tpu.vector_load %arg6[%get3A] {strides = array<i32>} : memref<2000xi32, #tpu.memory_space<vmem>>, vector<16xi32>,
        %mul3A_37 = arith.constant 16 : i32
        %mul3A_38 = arith.muli %scan3A_32, %mul3A_37 : i32
        %get3A_39 = arith.index_cast %mul3A_38 : i32 to index
        %get3A_40 = tpu.vector_load %arg7[%get3A_39] {strides = array<i32>} : memref<2000xi32, #tpu.memory_space<vmem>>, vector<16xi32>,
        tpu.vector_store_idx %arg5[%get3A_36], %broadcast_in_dim3A_3 {add = true} : memref<30000xf32, #tpu.memory_space<vmem>>[vector<16xi32>], vector<16xf32>,
        %add3A_41 = arith.constant 10000 : i32
        %add3A_42 = vector.broadcast %add3A_41 : i32 to vector<16xi32>
        %add3A_43 = arith.addi %get3A_40, %add3A_42 : vector<16xi32>
        tpu.vector_store_idx %arg5[%add3A_43], %broadcast_in_dim3A_3 {add = true} : memref<30000xf32, #tpu.memory_space<vmem>>[vector<16xi32>], vector<16xf32>,
        %eq3A = arith.constant 0 : i32
        %eq3A_44 = vector.broadcast %eq3A : i32 to vector<16xi32>
        %eq3A_45 = arith.cmpi eq, %get3A_40, %eq3A_44 : vector<16xi32>
        %all_reduce_population_count3A = tpu.all_reduce %eq3A_45 {dim = 0 : i64, kind = #tpu.reduction_kind<sum>} : vector<16xi1> -> vector<16xi32>
        %slice3A = vector.extract_strided_slice %all_reduce_population_count3A {offsets = [0], sizes = [1], strides = [1]} : vector<16xi32> to vector<1xi32>
        %squeeze3A = vector.extract %slice3A[0] : i32 from vector<1xi32>
        %gt3A = arith.constant 0 : i32
        %gt3A_46 = arith.cmpi sgt, %squeeze3A, %gt3A : i32
        %convert_element_type3A = arith.extui %gt3A_46 : i1 to i32
        %cond3A = arith.constant 0 : i32
        %cond3A_47 = arith.cmpi ne, %convert_element_type3A, %cond3A : i32
        scf.if %cond3A_47 {
          %add3A_49 = arith.constant 20000 : i32
          %add3A_50 = vector.broadcast %add3A_49 : i32 to vector<16xi32>
          %add3A_51 = arith.addi %get3A_36, %add3A_50 : vector<16xi32>
          tpu.vector_store_idx %arg5[%add3A_51], %broadcast_in_dim3A_3 masked %eq3A_45 {add = true} : memref<30000xf32, #tpu.memory_space<vmem>>[vector<16xi32>], vector<16xf32>, vector<16xi1>
        } else {
        }
        %scan3A_48 = arith.constant 0 : i32
        scf.yield %scan3A_48 : i32
      }
      %scan3A_30 = arith.constant 125 : i32
      %scan3A_31 = arith.constant 0 : i32
      scf.yield %scan3A_31 : i32
    }
    %scan3A_18 = arith.constant 5 : i32
    "tpu.region"() ({
      %run_scoped3A = tpu.sem_alloc : memref<!tpu.dma_semaphore, #tpu.memory_space<semaphore_mem>>
      %dma_start3A = arith.constant 0 : i32
      %dma_start3A_19 = tpu.memref_slice %arg4[%add3A, %dma_start3A] : memref<32x30000xf32, #tpu.memory_space<hbm>> -> memref<1x30000xf32, #tpu.memory_space<hbm>>
      %dma_start3A_20 = tpu.memref_squeeze %dma_start3A_19 : memref<1x30000xf32, #tpu.memory_space<hbm>> -> memref<30000xf32, #tpu.memory_space<hbm>>
      %dma_start3A_21 = arith.constant 0 : i32
      %dma_start3A_22 = tpu.memref_slice %arg4[%add3A, %dma_start3A_21] : memref<32x30000xf32, #tpu.memory_space<hbm>> -> memref<1x30000xf32, #tpu.memory_space<hbm>>
      %dma_start3A_23 = tpu.memref_squeeze %dma_start3A_22 : memref<1x30000xf32, #tpu.memory_space<hbm>> -> memref<30000xf32, #tpu.memory_space<hbm>>
      tpu.enqueue_dma source(%arg5 : memref<30000xf32, #tpu.memory_space<vmem>>) target(%dma_start3A_23 : memref<30000xf32, #tpu.memory_space<hbm>>) target_semaphore(%run_scoped3A : memref<!tpu.dma_semaphore, #tpu.memory_space<semaphore_mem>>)
      %dma_wait3A = arith.constant 0 : i32
      %dma_wait3A_24 = tpu.memref_slice %arg4[%add3A, %dma_wait3A] : memref<32x30000xf32, #tpu.memory_space<hbm>> -> memref<1x30000xf32, #tpu.memory_space<hbm>>
      %dma_wait3A_25 = tpu.memref_squeeze %dma_wait3A_24 : memref<1x30000xf32, #tpu.memory_space<hbm>> -> memref<30000xf32, #tpu.memory_space<hbm>>
      %dma_wait3A_26 = arith.constant 0 : i32
      %dma_wait3A_27 = tpu.memref_slice %arg4[%add3A, %dma_wait3A_26] : memref<32x30000xf32, #tpu.memory_space<hbm>> -> memref<1x30000xf32, #tpu.memory_space<hbm>>
      %dma_wait3A_28 = tpu.memref_squeeze %dma_wait3A_27 : memref<1x30000xf32, #tpu.memory_space<hbm>> -> memref<30000xf32, #tpu.memory_space<hbm>>
      tpu.wait_dma2 semaphore(%run_scoped3A : memref<!tpu.dma_semaphore, #tpu.memory_space<semaphore_mem>>) src(%arg5 : memref<30000xf32, #tpu.memory_space<vmem>>) dst(%dma_wait3A_28 : memref<30000xf32, #tpu.memory_space<hbm>>)
      tpu.yield
    }) : () -> ()
    return
  }
}

module attributes {stable_mosaic.version = 14 : i64} {
  func.func @_norms_body(%arg0: memref<32x3x10000xf32, #tpu.memory_space<vmem>>, %arg1: memref<4x10000xf32, #tpu.memory_space<vmem>>) attributes {dimension_semantics = [], scalar_prefetch = 0 : i64, scratch_operands = 0 : i64, tpu.core_type = #tpu.core_type<tc>} {
    %get3A = arith.constant 0 : index
    %get3A_0 = arith.constant 0 : index
    %get3A_1 = arith.constant 0 : index
    %get3A_2 = vector.load %arg0[%get3A, %get3A_0, %get3A_1] : memref<32x3x10000xf32, #tpu.memory_space<vmem>>, vector<32x3x10000xf32>
    %reduce_sum3A = arith.constant dense<0.000000e+00> : vector<3x10000xf32>
    %reduce_sum3A_3 = vector.multi_reduction <add>, %get3A_2, %reduce_sum3A [0] : vector<32x3x10000xf32> to vector<3x10000xf32>
    %slice3A = vector.extract_strided_slice %reduce_sum3A_3 {offsets = [0, 0], sizes = [1, 10000], strides = [1, 1]} : vector<3x10000xf32> to vector<1x10000xf32>
    %slice3A_4 = vector.extract_strided_slice %reduce_sum3A_3 {offsets = [1, 0], sizes = [1, 10000], strides = [1, 1]} : vector<3x10000xf32> to vector<1x10000xf32>
    %slice3A_5 = vector.extract_strided_slice %reduce_sum3A_3 {offsets = [2, 0], sizes = [1, 10000], strides = [1, 1]} : vector<3x10000xf32> to vector<1x10000xf32>
    %gt3A = arith.constant 5.000000e-01 : f32
    %gt3A_6 = vector.broadcast %gt3A : f32 to vector<1x10000xf32>
    %gt3A_7 = arith.cmpf ogt, %slice3A, %gt3A_6 : vector<1x10000xf32>
    %max3A = arith.constant 1.000000e+00 : f32
    %max3A_8 = vector.broadcast %max3A : f32 to vector<1x10000xf32>
    %max3A_9 = arith.maximumf %slice3A, %max3A_8 : vector<1x10000xf32>
    %rsqrt3A = math.rsqrt %max3A_9 : vector<1x10000xf32>
    %jit3A = arith.constant 0.000000e+00 : f32
    %broadcast_in_dim3A = vector.broadcast %jit3A : f32 to vector<1x10000xf32>
    %select_n3A = arith.select %gt3A_7, %rsqrt3A, %broadcast_in_dim3A : vector<1x10000xi1>, vector<1x10000xf32>
    %gt3A_10 = arith.constant 5.000000e-01 : f32
    %gt3A_11 = vector.broadcast %gt3A_10 : f32 to vector<1x10000xf32>
    %gt3A_12 = arith.cmpf ogt, %slice3A_4, %gt3A_11 : vector<1x10000xf32>
    %max3A_13 = arith.constant 1.000000e+00 : f32
    %max3A_14 = vector.broadcast %max3A_13 : f32 to vector<1x10000xf32>
    %max3A_15 = arith.maximumf %slice3A_4, %max3A_14 : vector<1x10000xf32>
    %rsqrt3A_16 = math.rsqrt %max3A_15 : vector<1x10000xf32>
    %jit3A_17 = arith.constant 0.000000e+00 : f32
    %broadcast_in_dim3A_18 = vector.broadcast %jit3A_17 : f32 to vector<1x10000xf32>
    %select_n3A_19 = arith.select %gt3A_12, %rsqrt3A_16, %broadcast_in_dim3A_18 : vector<1x10000xi1>, vector<1x10000xf32>
    %mul3A = arith.mulf %slice3A_5, %select_n3A : vector<1x10000xf32>
    %concatenate3A = tpu.concatenate %select_n3A, %select_n3A_19, %slice3A_5, %mul3A in 0 : vector<1x10000xf32>, vector<1x10000xf32>, vector<1x10000xf32>, vector<1x10000xf32> -> vector<4x10000xf32>
    %swap3A = arith.constant 0 : index
    %swap3A_20 = arith.constant 0 : index
    %swap3A_21 = vector.load %arg1[%swap3A, %swap3A_20] : memref<4x10000xf32, #tpu.memory_space<vmem>>, vector<4x10000xf32>
    tpu.vector_store %arg1[%swap3A, %swap3A_20], %concatenate3A {strides = array<i32>} : memref<4x10000xf32, #tpu.memory_space<vmem>>, vector<4x10000xf32>,
    return
  }
}

module attributes {stable_mosaic.version = 14 : i64} {
  func.func @_h1_body(%arg0: memref<10000x128xf32, #tpu.memory_space<vmem>>, %arg1: memref<10000x1xf32, #tpu.memory_space<vmem>>, %arg2: memref<128x128xf32, #tpu.memory_space<vmem>>, %arg3: memref<10000x128xf32, #tpu.memory_space<vmem>>) attributes {dimension_semantics = [], scalar_prefetch = 0 : i64, scratch_operands = 0 : i64, tpu.core_type = #tpu.core_type<tc>} {
    %get3A = arith.constant 0 : index
    %get3A_0 = arith.constant 0 : index
    %get3A_1 = vector.load %arg0[%get3A, %get3A_0] : memref<10000x128xf32, #tpu.memory_space<vmem>>, vector<10000x128xf32>
    %get3A_2 = arith.constant 0 : index
    %get3A_3 = arith.constant 0 : index
    %get3A_4 = vector.load %arg1[%get3A_2, %get3A_3] : memref<10000x1xf32, #tpu.memory_space<vmem>>, vector<10000x1xf32>
    %mul3A = vector.broadcast %get3A_4 : vector<10000x1xf32> to vector<10000x128xf32>
    %mul3A_5 = arith.mulf %get3A_1, %mul3A : vector<10000x128xf32>
    %get3A_6 = arith.constant 0 : index
    %get3A_7 = arith.constant 0 : index
    %get3A_8 = vector.load %arg2[%get3A_6, %get3A_7] : memref<128x128xf32, #tpu.memory_space<vmem>>, vector<128x128xf32>
    %dot_general3A = arith.constant dense<0.000000e+00> : vector<10000x128xf32>
    %dot_general3A_9 = tpu.matmul %mul3A_5, %get3A_8, %dot_general3A {dimension_numbers = #tpu.dot_dimension_numbers<[1], [0], [0], [1], [0, 0, 1, 1], [], []>, transpose_lhs_hint = false} : vector<10000x128xf32>, vector<128x128xf32>, vector<10000x128xf32> -> vector<10000x128xf32>
    %swap3A = arith.constant 0 : index
    %swap3A_10 = arith.constant 0 : index
    %swap3A_11 = vector.load %arg3[%swap3A, %swap3A_10] : memref<10000x128xf32, #tpu.memory_space<vmem>>, vector<10000x128xf32>
    tpu.vector_store %arg3[%swap3A, %swap3A_10], %dot_general3A_9 {strides = array<i32>} : memref<10000x128xf32, #tpu.memory_space<vmem>>, vector<10000x128xf32>,
    return
  }
}

module attributes {stable_mosaic.version = 14 : i64} {
  func.func @_final_body(%arg0: memref<10000x128xf32, #tpu.memory_space<vmem>>, %arg1: memref<10000x1xf32, #tpu.memory_space<vmem>>, %arg2: memref<1x10000xf32, #tpu.memory_space<vmem>>, %arg3: memref<1x128xf32, #tpu.memory_space<vmem>>, %arg4: memref<1x128xf32, #tpu.memory_space<vmem>>, %arg5: memref<1x128xf32, #tpu.memory_space<vmem>>, %arg6: memref<128x128xf32, #tpu.memory_space<vmem>>, %arg7: memref<1x128xf32, #tpu.memory_space<vmem>>, %arg8: memref<1x128xf32, #tpu.memory_space<vmem>>, %arg9: memref<1x128xf32, #tpu.memory_space<vmem>>, %arg10: memref<1x128xf32, #tpu.memory_space<vmem>>) attributes {dimension_semantics = [], scalar_prefetch = 0 : i64, scratch_operands = 0 : i64, tpu.core_type = #tpu.core_type<tc>} {
    %get3A = arith.constant 0 : index
    %get3A_0 = arith.constant 0 : index
    %get3A_1 = vector.load %arg0[%get3A, %get3A_0] : memref<10000x128xf32, #tpu.memory_space<vmem>>, vector<10000x128xf32>
    %get3A_2 = arith.constant 0 : index
    %get3A_3 = arith.constant 0 : index
    %get3A_4 = vector.load %arg1[%get3A_2, %get3A_3] : memref<10000x1xf32, #tpu.memory_space<vmem>>, vector<10000x1xf32>
    %mul3A = vector.broadcast %get3A_4 : vector<10000x1xf32> to vector<10000x128xf32>
    %mul3A_5 = arith.mulf %get3A_1, %mul3A : vector<10000x128xf32>
    %get3A_6 = arith.constant 0 : index
    %get3A_7 = arith.constant 0 : index
    %get3A_8 = vector.load %arg3[%get3A_6, %get3A_7] : memref<1x128xf32, #tpu.memory_space<vmem>>, vector<1x128xf32>
    %add3A = vector.broadcast %get3A_8 : vector<1x128xf32> to vector<10000x128xf32>
    %add3A_9 = arith.addf %mul3A_5, %add3A : vector<10000x128xf32>
    %reduce_sum3A = arith.constant dense<0.000000e+00> : vector<10000xf32>
    %reduce_sum3A_10 = vector.multi_reduction <add>, %add3A_9, %reduce_sum3A [1] : vector<10000x128xf32> to vector<10000xf32>
    %broadcast_in_dim3A = vector.shape_cast %reduce_sum3A_10 : vector<10000xf32> to vector<10000x1xf32>
    %div3A = arith.constant 1.280000e+02 : f32
    %div3A_11 = vector.broadcast %div3A : f32 to vector<10000x1xf32>
    %div3A_12 = arith.divf %broadcast_in_dim3A, %div3A_11 : vector<10000x1xf32>
    %sub3A = vector.broadcast %div3A_12 : vector<10000x1xf32> to vector<10000x128xf32>
    %sub3A_13 = arith.subf %add3A_9, %sub3A : vector<10000x128xf32>
    %mul3A_14 = arith.mulf %sub3A_13, %sub3A_13 : vector<10000x128xf32>
    %reduce_sum3A_15 = arith.constant dense<0.000000e+00> : vector<10000xf32>
    %reduce_sum3A_16 = vector.multi_reduction <add>, %mul3A_14, %reduce_sum3A_15 [1] : vector<10000x128xf32> to vector<10000xf32>
    %broadcast_in_dim3A_17 = vector.shape_cast %reduce_sum3A_16 : vector<10000xf32> to vector<10000x1xf32>
    %div3A_18 = arith.constant 1.280000e+02 : f32
    %div3A_19 = vector.broadcast %div3A_18 : f32 to vector<10000x1xf32>
    %div3A_20 = arith.divf %broadcast_in_dim3A_17, %div3A_19 : vector<10000x1xf32>
    %add3A_21 = arith.constant 9.99999974E-6 : f32
    %add3A_22 = vector.broadcast %add3A_21 : f32 to vector<10000x1xf32>
    %add3A_23 = arith.addf %div3A_20, %add3A_22 : vector<10000x1xf32>
    %rsqrt3A = math.rsqrt %add3A_23 : vector<10000x1xf32>
    %mul3A_24 = vector.broadcast %rsqrt3A : vector<10000x1xf32> to vector<10000x128xf32>
    %mul3A_25 = arith.mulf %sub3A_13, %mul3A_24 : vector<10000x128xf32>
    %get3A_26 = arith.constant 0 : index
    %get3A_27 = arith.constant 0 : index
    %get3A_28 = vector.load %arg4[%get3A_26, %get3A_27] : memref<1x128xf32, #tpu.memory_space<vmem>>, vector<1x128xf32>
    %mul3A_29 = vector.broadcast %get3A_28 : vector<1x128xf32> to vector<10000x128xf32>
    %mul3A_30 = arith.mulf %mul3A_25, %mul3A_29 : vector<10000x128xf32>
    %get3A_31 = arith.constant 0 : index
    %get3A_32 = arith.constant 0 : index
    %get3A_33 = vector.load %arg5[%get3A_31, %get3A_32] : memref<1x128xf32, #tpu.memory_space<vmem>>, vector<1x128xf32>
    %add3A_34 = vector.broadcast %get3A_33 : vector<1x128xf32> to vector<10000x128xf32>
    %add3A_35 = arith.addf %mul3A_30, %add3A_34 : vector<10000x128xf32>
    %max3A = arith.constant 0.000000e+00 : f32
    %max3A_36 = vector.broadcast %max3A : f32 to vector<10000x128xf32>
    %max3A_37 = arith.maximumf %add3A_35, %max3A_36 : vector<10000x128xf32>
    %get3A_38 = arith.constant 0 : index
    %get3A_39 = arith.constant 0 : index
    %get3A_40 = vector.load %arg2[%get3A_38, %get3A_39] : memref<1x10000xf32, #tpu.memory_space<vmem>>, vector<1x10000xf32>
    %dot_general3A = arith.constant dense<0.000000e+00> : vector<1x128xf32>
    %dot_general3A_41 = tpu.matmul %get3A_40, %max3A_37, %dot_general3A {dimension_numbers = #tpu.dot_dimension_numbers<[1], [0], [0], [1], [0, 0, 1, 1], [], []>, transpose_lhs_hint = false} : vector<1x10000xf32>, vector<10000x128xf32>, vector<1x128xf32> -> vector<1x128xf32>
    %get3A_42 = arith.constant 0 : index
    %get3A_43 = arith.constant 0 : index
    %get3A_44 = vector.load %arg1[%get3A_42, %get3A_43] : memref<10000x1xf32, #tpu.memory_space<vmem>>, vector<1x1xf32>
    %get3A_45 = arith.constant 0 : index
    %get3A_46 = arith.constant 0 : index
    %get3A_47 = vector.load %arg6[%get3A_45, %get3A_46] : memref<128x128xf32, #tpu.memory_space<vmem>>, vector<128x128xf32>
    %dot_general3A_48 = arith.constant dense<0.000000e+00> : vector<1x128xf32>
    %dot_general3A_49 = tpu.matmul %dot_general3A_41, %get3A_47, %dot_general3A_48 {dimension_numbers = #tpu.dot_dimension_numbers<[1], [0], [0], [1], [0, 0, 1, 1], [], []>, transpose_lhs_hint = false} : vector<1x128xf32>, vector<128x128xf32>, vector<1x128xf32> -> vector<1x128xf32>
    %mul3A_50 = vector.broadcast %get3A_44 : vector<1x1xf32> to vector<1x128xf32>
    %mul3A_51 = arith.mulf %dot_general3A_49, %mul3A_50 : vector<1x128xf32>
    %get3A_52 = arith.constant 0 : index
    %get3A_53 = arith.constant 0 : index
    %get3A_54 = vector.load %arg7[%get3A_52, %get3A_53] : memref<1x128xf32, #tpu.memory_space<vmem>>, vector<1x128xf32>
    %add3A_55 = arith.addf %mul3A_51, %get3A_54 : vector<1x128xf32>
    %reduce_sum3A_56 = arith.constant dense<0.000000e+00> : vector<1xf32>
    %reduce_sum3A_57 = vector.multi_reduction <add>, %add3A_55, %reduce_sum3A_56 [1] : vector<1x128xf32> to vector<1xf32>
    %broadcast_in_dim3A_58 = vector.shape_cast %reduce_sum3A_57 : vector<1xf32> to vector<1x1xf32>
    %div3A_59 = arith.constant 1.280000e+02 : f32
    %div3A_60 = vector.broadcast %div3A_59 : f32 to vector<1x1xf32>
    %div3A_61 = arith.divf %broadcast_in_dim3A_58, %div3A_60 : vector<1x1xf32>
    %sub3A_62 = vector.broadcast %div3A_61 : vector<1x1xf32> to vector<1x128xf32>
    %sub3A_63 = arith.subf %add3A_55, %sub3A_62 : vector<1x128xf32>
    %mul3A_64 = arith.mulf %sub3A_63, %sub3A_63 : vector<1x128xf32>
    %reduce_sum3A_65 = arith.constant dense<0.000000e+00> : vector<1xf32>
    %reduce_sum3A_66 = vector.multi_reduction <add>, %mul3A_64, %reduce_sum3A_65 [1] : vector<1x128xf32> to vector<1xf32>
    %broadcast_in_dim3A_67 = vector.shape_cast %reduce_sum3A_66 : vector<1xf32> to vector<1x1xf32>
    %div3A_68 = arith.constant 1.280000e+02 : f32
    %div3A_69 = vector.broadcast %div3A_68 : f32 to vector<1x1xf32>
    %div3A_70 = arith.divf %broadcast_in_dim3A_67, %div3A_69 : vector<1x1xf32>
    %add3A_71 = arith.constant 9.99999974E-6 : f32
    %add3A_72 = vector.broadcast %add3A_71 : f32 to vector<1x1xf32>
    %add3A_73 = arith.addf %div3A_70, %add3A_72 : vector<1x1xf32>
    %rsqrt3A_74 = math.rsqrt %add3A_73 : vector<1x1xf32>
    %mul3A_75 = vector.broadcast %rsqrt3A_74 : vector<1x1xf32> to vector<1x128xf32>
    %mul3A_76 = arith.mulf %sub3A_63, %mul3A_75 : vector<1x128xf32>
    %get3A_77 = arith.constant 0 : index
    %get3A_78 = arith.constant 0 : index
    %get3A_79 = vector.load %arg8[%get3A_77, %get3A_78] : memref<1x128xf32, #tpu.memory_space<vmem>>, vector<1x128xf32>
    %mul3A_80 = arith.mulf %mul3A_76, %get3A_79 : vector<1x128xf32>
    %get3A_81 = arith.constant 0 : index
    %get3A_82 = arith.constant 0 : index
    %get3A_83 = vector.load %arg9[%get3A_81, %get3A_82] : memref<1x128xf32, #tpu.memory_space<vmem>>, vector<1x128xf32>
    %add3A_84 = arith.addf %mul3A_80, %get3A_83 : vector<1x128xf32>
    %max3A_85 = arith.constant 0.000000e+00 : f32
    %max3A_86 = vector.broadcast %max3A_85 : f32 to vector<1x128xf32>
    %max3A_87 = arith.maximumf %add3A_84, %max3A_86 : vector<1x128xf32>
    %swap3A = arith.constant 0 : index
    %swap3A_88 = arith.constant 0 : index
    %swap3A_89 = vector.load %arg10[%swap3A, %swap3A_88] : memref<1x128xf32, #tpu.memory_space<vmem>>, vector<1x128xf32>
    tpu.vector_store %arg10[%swap3A, %swap3A_88], %max3A_87 {strides = array<i32>} : memref<1x128xf32, #tpu.memory_space<vmem>>, vector<1x128xf32>,
    return
  }
}

</mosaic_0001>

<sc_bundles>
// kernel: kernel.10.cloned.1.call-start
scs
__scs_entry_jumppad:
0x0: {  	(pc) =	sbr.rel $0x88, $3  }
0x1: {  	(tag) =	ssettag $0x0;
	lr =	simm.s32 $0x1  }
0x2: {  	[smem:$0x3F97] =	sst lr;
	_ =	strace $0xD0000000  }
0x3: {  	_ = 	snop  }
0x4: {  	_ = 	snop  }
0x5: {  	_ = 	snop  }
0x6: {  	_ = 	snop  }
0x7: {  	_ = 	snop  }
__scs_overlays_trampoline_lowered:
0x8: {  	[smem:$0x3FA6] =	sst s0  }
0x9: {  	[smem:$0x3FA7] =	sst s1  }
0xa: {  	[smem:$0x3FA8] =	sst s2  }
0xb: {  	[smem:$0x3FA9] =	sst s3  }
0xc: {  	[smem:$0x3FAA] =	sst s4  }
0xd: {  	[smem:$0x3FAB] =	sst s5  }
0xe: {  	[smem:$0x3FAC] =	sst s6  }
0xf: {  	[smem:$0x3FAD] =	sst s7  }
0x10: {  	[smem:$0x3FAE] =	sst s8  }
0x11: {  	[smem:$0x3FAF] =	sst s9;
	s0 =	simm.s32 @!p0 $0x0  }
0x12: {  	s1 =	sld [smem:$0x3F95];
	s0 =	simm.s32 @p0 $0x1  }
0x13: {  	[smem:$0x3FB0] =	sst s0;
	s0 =	simm.s32 @!p1 $0x0  }
0x14: {  	s2 =	sld [smem:$0x3F94];
	s0 =	simm.s32 @p1 $0x1  }
0x15: {  	[smem:$0x3FB1] =	sst s0;
	s0 =	simm.s32 @!p2 $0x0  }
0x16: {  	s3 =	sld [smem:$0x3FDB];
	s0 =	simm.s32 @p2 $0x1  }
0x17: {  	s4 =	simm.s32 $0x1BF5;
	[smem:$0x3FB3] =	sst s0  }
0x18: {  	s0 =	sld [smem:$0x3F96];
	_ =	swait.ge [sflag:s4], $0x0  }
0x19: {  	s7 =	sld [smem:$0x3F97]  }
0x1a: {  	s8 =	sadd.s32 $0xFFFFE003, lr  }
0x1b: {  	s9 =	sadd.s32 $0xFFFFFEF7, lr;
	s5 =	simm.s32 $0xFFFFFFFF;
	p2 =	slt.u32 s8, $0xFFFFF086  }
0x1c: {  	p1 =	slt.u32 s9, $0xF7A;
	s5 =	simm.s32 @!p2 $0x0  }
0x1d: {  	s5 =	simm.s32 @p1 $0x1;
	p0 =	seq.s32 s7, s2  }
0x1e: {  	s7 =	smul.u32 @!p0 $0xF7A, s2;
	p2 =	seq.s32 @!p0 s5, $0x0  }
0x1f: {  	s9 =	smul.u32 $0xF7A, s1;
	s8 =	simm.s32 @!p0 $0x1BF5;
	p2 =	por !p2, p0  }
0x20: {  	[sflag:s8] =	ssyncset.s32 @!p0 $0xFFFFF086;
	s6 =	sadd.s32 @!p0 s3, s7;
	s7 =	simm.s32 @!p0 $0x108  }
0x21: {  	s3 =	sadd.s32 s3, s9;
	s6 =	sadd.s32 @!p0 $0x88, s6;
	s7 =	simm.s32 @p2 $0x1082  }
0x22: {  	[simem:s7], [sflag:s8] =	dma.local @!p0 [hbm:s6], $0xF7A  }
0x23: {  	s9 =	sor.u32 $0xD0000000, s2;
	s6 =	simm.s32 $0x108;
	_ =	swait.ge @!p0 [sflag:s8], $0x0  }
0x24: {  	s3 =	sadd.s32 $0x88, s3;
	s6 =	simm.s32 @!p1 $0x1082;
	[sflag:s4] =	ssyncset.s32 $0xFFFFF086  }
0x25: {  	[simem:s6], [sflag:s4] =	dma.local [hbm:s3], $0xF7A  }
0x26: {  	[smem:$0x3F97] =	sst s1;
	(tag) =	ssettag s2;
	_ =	strace s9  }
0x27: {  	s1 =	sld [smem:$0x3FA7]  }
0x28: {  	s2 =	sld [smem:$0x3FA8]  }
0x29: {  	s4 =	sld [smem:$0x3FAA]  }
0x2a: {  	p0 =	seq.s32 s5, $0x0;
	s5 =	sld [smem:$0x3FAB]  }
0x2b: {  	s6 =	sld [smem:$0x3FAC]  }
0x2c: {  	s7 =	sld [smem:$0x3FAD]  }
0x2d: {  	s3 =	simm.s32 $0x108;
	s8 =	sld [smem:$0x3FAE]  }
0x2e: {  	s3 =	simm.s32 @!p0 $0x1082;
	s9 =	sld [smem:$0x3FAF]  }
0x2f: {  	lr =	sadd.s32 s0, s3;
	s0 =	sld [smem:$0x3FA6]  }
0x30: {  	s3 =	sld [smem:$0x3FA9]  }
0x31: {  	[smem:$0x3FB2] =	sst s10  }
0x32: {  	s10 =	sld [smem:$0x3FB0];
	_ =	sdelay $0x3  }
0x33: {  	p0 =	seq.s32 s10, $0x1;
	s10 =	sld [smem:$0x3FB2];
	_ =	sdelay $0x3  }
0x34: {  	[smem:$0x3FB2] =	sst s10  }
0x35: {  	s10 =	sld [smem:$0x3FB1];
	_ =	sdelay $0x3  }
0x36: {  	p1 =	seq.s32 s10, $0x1;
	s10 =	sld [smem:$0x3FB2];
	_ =	sdelay $0x3  }
0x37: {  	[smem:$0x3FB2] =	sst s10  }
0x38: {  	s10 =	sld [smem:$0x3FB3]  }
0x39: {  	_ = 	snop;
	(pc) =	sbr.ind lr, $3  }
0x3a: {  	_ = 	snop  }
0x3b: {  	_ = 	snop  }
0x3c: {  	p2 =	seq.s32 s10, $0x1;
	s10 =	sld [smem:$0x3FB2]  }
0x3d: {  	_ =	shalt  }
0x3e: {  	_ =	shalt  }
0x3f: {  	_ =	shalt  }
0x40: {  	_ =	shalt  }
0x41: {  	_ =	shalt  }
0x42: {  	_ =	shalt  }
0x43: {  	_ =	shalt  }
0x44: {  	_ =	shalt  }
0x45: {  	_ =	shalt  }
0x46: {  	_ =	shalt  }
0x47: {  	_ =	shalt  }
0x48: {  	_ =	shalt  }
0x49: {  	_ =	shalt  }
0x4a: {  	_ =	shalt  }
0x4b: {  	_ =	shalt  }
0x4c: {  	_ =	shalt  }
0x4d: {  	_ =	shalt  }
0x4e: {  	_ =	shalt  }
0x4f: {  	_ =	shalt  }
0x50: {  	_ =	shalt  }
0x51: {  	_ =	shalt  }
0x52: {  	_ =	shalt  }
0x53: {  	_ =	shalt  }
0x54: {  	_ =	shalt  }
0x55: {  	_ =	shalt  }
0x56: {  	_ =	shalt  }
0x57: {  	_ =	shalt  }
0x58: {  	_ =	shalt  }
0x59: {  	_ =	shalt  }
0x5a: {  	_ =	shalt  }
0x5b: {  	_ =	shalt  }
0x5c: {  	_ =	shalt  }
0x5d: {  	_ =	shalt  }
0x5e: {  	_ =	shalt  }
0x5f: {  	_ =	shalt  }
0x60: {  	_ =	shalt  }
0x61: {  	_ =	shalt  }
0x62: {  	_ =	shalt  }
0x63: {  	_ =	shalt  }
0x64: {  	_ =	shalt  }
0x65: {  	_ =	shalt  }
0x66: {  	_ =	shalt  }
0x67: {  	_ =	shalt  }
0x68: {  	_ =	shalt  }
0x69: {  	_ =	shalt  }
0x6a: {  	_ =	shalt  }
0x6b: {  	_ =	shalt  }
0x6c: {  	_ =	shalt  }
0x6d: {  	_ =	shalt  }
0x6e: {  	_ =	shalt  }
0x6f: {  	_ =	shalt  }
0x70: {  	_ =	shalt  }
0x71: {  	_ =	shalt  }
0x72: {  	_ =	shalt  }
0x73: {  	_ =	shalt  }
0x74: {  	_ =	shalt  }
0x75: {  	_ =	shalt  }
0x76: {  	_ =	shalt  }
0x77: {  	_ =	shalt  }
0x78: {  	_ =	shalt  }
0x79: {  	_ =	shalt  }
0x7a: {  	_ =	shalt  }
0x7b: {  	_ =	shalt  }
0x7c: {  	_ =	shalt  }
0x7d: {  	_ =	shalt  }
0x7e: {  	_ =	shalt  }
0x7f: {  	_ =	shalt  }
0x80: {  	_ =	shalt  }
0x81: {  	_ =	shalt  }
0x82: {  	_ =	shalt  }
0x83: {  	_ =	shalt  }
0x84: {  	_ =	shalt  }
0x85: {  	_ =	shalt  }
0x86: {  	_ =	shalt  }
0x87: {  	_ =	shalt  }
.Lfunc_end0:
.L_simem_size_0:
called_computation.1_lowered:
.L_overlay_start_0:
0x88: {  	s2 =	sld [smem:$0x3FD9]  }
0x89: {  	s3 =	sld [smem:$0x3FFE];
	_ =	sdelay $0x1  }
0x8a: {  	s1 =	srdreg.scid  }
0x8b: {  	s0 =	sand.u32 $0x1, s1  }
0x8c: {  	s16 =	sshll.u32 s0, $0xA;
	s2 =	sadd.s32 s3, s2  }
0x8d: {  	s2 =	sadd.s32 s2, s16  }
0x8e: {  	[smem:$0x3FBE] =	sst s2  }
0x8f: {  	_ = 	snop  }
0x90: {  	(tm) =	ssettm $0x1  }
0x91: {  	s17 =	sld [smem:$0x3FFB];
	_ =	sdelay $0x3  }
0x92: {  	_ =	strace s17  }
0x93: {  	s2 =	sld [smem:$0x3FFC];
	_ =	sdelay $0x3  }
0x94: {  	_ =	strace s2  }
0x95: {  	s2 =	sld [smem:$0x3FFD];
	_ =	sdelay $0x3  }
0x96: {  	_ =	strace s2  }
0x97: {  	_ =	strace $0x8FFFFFFF  }
0x98: {  	s18 =	sld [smem:$0x3FDB];
	_ =	sdelay $0x1  }
0x99: {  	s19 =	simm.s32 $_scs_section_size  }
0x9a: {  	s4 =	simm.s32 $_size__tile_overlayer_lowered;
	s5 =	simm.s32 $_tile_overlayer_lowered  }
0x9b: {  	s22 =	simm.s32 $0x1BFF;
	s21 =	sshll.u32 s5, $0x1;
	s2 =	sadd.s32 s19, s18  }
0x9c: {  	s6 =	simm.s32 $0x0;
	s20 =	sshll.u32 s4, $0x1;
	s4 =	sadd.s32 s21, s2  }
0x9d: {  	[timem:s6], [sflag:s22] =	dma.local [hbm:s4], s20  }
0x9e: {  	_ =	swait.ge [sflag:s22], s20  }
0x9f: {  	s3 =	ssub.s32 $0x0, s20;
	[sflag:s22] =	ssyncset.done $0x0  }
0xa0: {  	[sflag:s22] =	ssyncadd.s32 s3;
	_ =	sdelay $0x1  }
0xa1: {  	s23 =	simm.s32 $0x1B8B  }
0xa2: {  	_ =	swait.ge [sflag:s23], $0x1  }
0xa3: {  	[sflag:s23] =	ssyncset.done $0x0  }
0xa4: {  	s25 =	simm.s32 $0x1B8E;
	s24 =	sld [smem:$0x3FFE];
	[sflag:s23] =	ssyncadd.s32 $0xFFFFFFFF  }
0xa5: {  	s26 =	simm.s32 $execute0_lowered;
	[smem:$0x3FD2] =	sst s25  }
0xa6: {  	s4 =	sshll.u32 s26, $0x1;
	_ =	strace $0x80000049;
	[dreg:$0x1] =	wrdreg $0xFFFFFFFF  }
0xa7: {  	s28 =	simm.s32 $_size_execute0_lowered;
	s2 =	sadd.s32 s2, s4;
	[dreg:$0x0] =	wrdreg $0x0  }
0xa8: {  	s4 =	sshll.u32 s28, $0x1;
	[dreg:$0x2] =	wrdreg s2  }
0xa9: {  	[dreg:$0x3] =	wrdreg s4  }
0xaa: {  	[dreg:$0x4] =	wrdreg $0xC0  }
0xab: {  	_ =	task [dreg:s6], $0x5FFFF  }
0xac: {  	[dreg:$0x1] =	wrdreg $0xFFFFFFFF  }
0xad: {  	[dreg:$0x0] =	wrdreg $0x60  }
0xae: {  	[dreg:$0x2] =	wrdreg s24  }
0xaf: {  	[dreg:$0x3] =	wrdreg $0x15A800  }
0xb0: {  	[dreg:$0x4] =	wrdreg $0x9  }
0xb1: {  	_ =	task.clear_ibuf [dreg:s6], $0x5FFFF;
	_ =	strace $0x90000049  }
0xb2: {  	s29 =	simm.s32 $0x9;
	_ =	strace $0x8000004B  }
0xb3: {  	_ =	swait.ge [sflag:s29], $0x1  }
0xb4: {  	[sflag:s29] =	ssyncadd.s32 $0xFFFFFFFF  }
0xb5: {  	_ =	strace $0x9000004B  }
0xb6: {  	_ =	sfence  }
0xb7: {  	s30 =	sld [smem:$0x0];
	_ =	sdelay $0x2  }
0xb8: {  	s31 =	sshll.u32 s1, $0xD;
	s1 =	sshrl.u32 s1, $0x2  }
0xb9: {  	s3 =	sand.u32 $0x4000, s31;
	s1 =	sadd.s32 s1, s30  }
0xba: {  	s0 =	sor.u32 s3, s0;
	s1 =	sshll.u32 s1, $0x11  }
0xbb: {  	s0 =	sor.u32 s1, s0  }
0xbc: {  	s0 =	sadd.s32 $0x8F2B, s0  }
0xbd: {  	[sflag:s0] =	ssyncadd.remote.s32 $0x1  }
0xbe: {  	_ =	sfence.sel $0xFFFF  }
0xbf: {  	[dreg:$0x0] =	wrdreg $0xFFFFFFFF;
	(pc) =	sbr.abs _section_cstart, $3  }
0xc0: {  	[dreg:$0x1] =	wrdreg $0xFFFFFFFF  }
0xc1: {  	_ =	task.clear_ibuf [dreg:s6], $0x2FFFF;
	_ =	strace $0x9FFFFFFF  }
0xc2: {  	(tm) =	ssettm $0x7FFFFFFF  }
0xc3: {  	_ =	shalt  }
tec
execute0_lowered:
.L_overlay_start_1:
0x0: {  	(tag) =	ssettag $0x1  }
0x1: {  	s8 =	rddreg [dreg:$0x0]  }
0x2: {  	s1 =	rddreg [dreg:$0x1]  }
0x3: {  	s0 =	rddreg [dreg:$0x2];
	s2 =	simm.s32 $0x0;
	s7 =	srdreg.scid  }
0x4: {  	s5 =	stileid.u32;
	s17 =	simm.s32 $0x2;
	s18 =	simm.s32 $0x2780  }
0x5: {  	s19 =	simm.s32 $0x3780;
	s22 =	simm.s32 $0xE580;
	s23 =	simm.s32 $0xE680  }
0x6: {  	s24 =	simm.s32 $0xE600;
	s25 =	simm.s32 $0x0;
	[smem:$0x7FF] =	sst s2  }
0x7: {  	s3 =	sadd.s32 $0xB600, s8;
	s4 =	sadd.s32 $0x1800, s8;
	s6 =	sadd.s32 $0x15400, s8  }
0x8: {  	s9 =	sand.u32 $0x1, s7;
	s10 =	smul.u32 $0x27000, s5;
	s7 =	sadd.s32 $0x15A00, s8  }
0x9: {  	s13 =	sadd.s32 $0x3CC00, s8;
	s12 =	smul.u32 $0x138, s5;
	p0 =	sne.s32 s5, $0x0  }
0xa: {  	_ =	strace $0x8000004A;
	s20 =	smul.u32 $0x1388, s9;
	s11 =	ssub.s32 $0x2, s9  }
0xb: {  	s14 =	smul.u32 $0x9C400, s9;
	s30 =	sshrl.u32 s10, $0x2;
	s31 =	sshrl.u32 s11, $0x1  }
0xc: {  	s8 =	sadd.s32 s30, s1;
	s15 =	ssub.s32 s11, s31;
	s11 =	sadd.s32 $0x9C000, s1  }
.Ltmp0:
0xd: {  	s16 =	sadd.s32 s12, s20;
	s14 =	sshrl.u32 s14, $0x3;
	(pc) =	sbr.rel .LBB2_1-.Ltmp0, $4  }
0xe: {  	s12 =	smul.u32 $0x4E20, s5;
	s21 =	sadd.s32 $0x1388, s20;
	v0 =	vmov s20;
	s20 =	simm.s32 $0x1  }
0xf: {  	s9 =	sadd.s32 $0x3400, s8;
	s10 =	sadd.s32 $0x6800, s8;
	s16 =	sshll.u32 s16, $0x4  }
0x10: {  	s14 =	sadd.s32 s13, s14;
	s15 =	smax.u32 s15, $0x1;
	v1 =	vmov s21;
	s21 =	simm.s32 $0x80  }
0x11: {  	v2 =	vimm.f32 $0.0e+00;
	v3 =	vimm.s32 $0x0;
	v4 =	vimm.s32 $0x1388;
	s13 =	sadd.s32 s13, s16;
	s14 =	sadd.s32 $0x13800, s14;
	s16 =	simm.s32 $0x12680  }
.LBB2_12:
0x12: {  	[sflag:s17] =	ssyncadd.s32 $0xFFFFC000  }
.LBB2_13:
0x13: {  	s26 =	sshll.u32 s5, $0x6  }
0x14: {  	[bflag:$0x0] =	sbarrier.arrive $0xFFFF;
	s28 =	sshrl.u32 s8, $0x3;
	s26 =	sor.u32 $0x1C02, s26  }
0x15: {  	[hbm:s13], [sflag:s26] =	dma.local [spmem:s28], $0x1380  }
0x16: {  	_ =	swait.ge [sflag:s17], $0x1380  }
0x17: {  	s25 =	sadd.s32 $0x1, s25;
	[sflag:s17] =	ssyncset.done $0x0  }
0x18: {  	p1 =	sne.s32 s25, s15;
	s28 =	sshrl.u32 @!p0 s11, $0x3;
	[sflag:s17] =	ssyncadd.s32 $0xFFFFEC80  }
0x19: {  	[hbm:s14], [sflag:s26] =	dma.local @!p0 [spmem:s28], $0x80  }
.Ltmp1:
0x1a: {  	_ = 	snop;
	(pc) =	sbr.rel @!p1 .LBB2_14-.Ltmp1, $4  }
0x1b: {  	s26 =	simm.s32 @!p0 $0x2  }
0x1c: {  	_ =	swait.ge @!p0 [sflag:s26], $0x80  }
0x1d: {  	[sflag:s26] =	ssyncset.done @!p0 $0x0  }
0x1e: {  	[sflag:s26] =	ssyncadd.s32 @!p0 $0xFFFFFF80  }
.LBB2_1:
0x1f: {  	s26 =	simm.s32 $0x0;
	s28 =	simm.s32 $0x200  }
.LBB2_2:
0x20: {  	p1 =	sne.s32 s28, $0xCE00;
	[tilespmem:s26+$0x126F0] =	vst v2  }
0x21: {  	[tilespmem:s26+$0x12680] =	vst v2  }
0x22: {  	[tilespmem:s26+$0x12690] =	vst v2  }
.Ltmp2:
0x23: {  	[tilespmem:s26+$0x126A0] =	vst v2;
	(pc) =	sbr.rel @p1 .LBB2_2-.Ltmp2, $4  }
0x24: {  	[tilespmem:s26+$0x126B0] =	vst v2  }
0x25: {  	[tilespmem:s26+$0x126C0] =	vst v2  }
0x26: {  	[tilespmem:s26+$0x126D0] =	vst v2  }
0x27: {  	[tilespmem:s26+$0x126E0] =	vst v2;
	s26 =	sshra.s32 s28, $0x2;
	s28 =	sadd.s32 $0x200, s28  }
0x28: {  	[tilespmem:s26+$0x126F0] =	vst v2  }
0x29: {  	[tilespmem:s26+$0x12680] =	vst v2  }
0x2a: {  	[tilespmem:s26+$0x12690] =	vst v2  }
0x2b: {  	[tilespmem:s26+$0x126A0] =	vst v2  }
0x2c: {  	[tilespmem:s26+$0x126B0] =	vst v2  }
0x2d: {  	[tilespmem:s26+$0x126C0] =	vst v2  }
0x2e: {  	[tilespmem:s26+$0x126D0] =	vst v2  }
0x2f: {  	[tilespmem:s26+$0x126E0] =	vst v2  }
0x30: {  	[spmem:s8] =	stream.linear.scatter [tilespmem:s16], [sflag:$0x2], $0x3400, $0x38;
	[tilespmem:$0x1F700] =	vst v63  }
0x31: {  	_ =	swait.ge [sflag:s17], $0x3400  }
0x32: {  	[sflag:s17] =	ssyncset.done $0x0  }
0x33: {  	[sflag:s17] =	ssyncadd.s32 $0xFFFFCC00  }
0x34: {  	[spmem:s9] =	stream.linear.scatter [tilespmem:s16], [sflag:$0x2], $0x3400, $0x38;
	[tilespmem:$0x1F700] =	vst v63  }
0x35: {  	_ =	swait.ge [sflag:s17], $0x3400  }
0x36: {  	[sflag:s17] =	ssyncset.done $0x0  }
0x37: {  	[sflag:s17] =	ssyncadd.s32 $0xFFFFCC00  }
0x38: {  	[spmem:s10] =	stream.linear.scatter [tilespmem:s16], [sflag:$0x2], $0x3400, $0x38;
	[tilespmem:$0x1F700] =	vst v63  }
0x39: {  	_ =	swait.ge [sflag:s17], $0x3400  }
0x3a: {  	[sflag:s17] =	ssyncset.done $0x0  }
0x3b: {  	s26 =	simm.s32 @!p0 $0x12680;
	[sflag:s17] =	ssyncadd.s32 $0xFFFFCC00  }
0x3c: {  	[spmem:s11] =	stream.linear.scatter @!p0 [tilespmem:s26], [sflag:$0x2], $0x800, $0x38;
	[tilespmem:$0x1F700] =	vst v63  }
0x3d: {  	s26 =	simm.s32 @!p0 $0x2  }
0x3e: {  	_ =	swait.ge @!p0 [sflag:s26], $0x800  }
0x3f: {  	[sflag:s26] =	ssyncset.done @!p0 $0x0  }
0x40: {  	s28 =	simm.s32 $0x0;
	[sflag:s26] =	ssyncadd.s32 @!p0 $0xFFFFF800  }
0x41: {  	[tilespmem:s28], [sflag:$0x2] =	stream.linear.gather [hbm4b:s6+s28], $0x2780, $0x38;
	[tilespmem:$0x1F700] =	vst v63  }
.Ltmp3:
0x42: {  	_ =	swait.ge [sflag:s17], $0x2780;
	(pc) =	sbr.rel .LBB2_4-.Ltmp3, $4  }
0x43: {  	[sflag:s17] =	ssyncset.done $0x0  }
0x44: {  	[sflag:s17] =	ssyncadd.s32 $0xFFFFD880  }
0x45: {  	[bflag:$0x0] =	sbarrier.arrive $0xFFFF  }
0x46: {  	s26 =	simm.s32 $0x0  }
.LBB2_8:
0x47: {  	s26 =	sadd.s32 $0x1, s26  }
0x48: {  	p1 =	sne.s32 s26, $0x5  }
.Ltmp4:
0x49: {  	_ = 	snop;
	(pc) =	sbr.rel @!p1 .LBB2_9-.Ltmp4, $1  }
0x4a: {  	_ =	sdelay $0x3  }
.LBB2_4:
0x4b: {  	s29 =	smul.u32 $0xFA0, s26;
	_ =	sdelay $0x1  }
0x4c: {  	s29 =	sadd.s32 s12, s29  }
0x4d: {  	s29 =	sshrl.u32 s29, $0x3  }
0x4e: {  	s30 =	sadd.s32 s3, s29  }
0x4f: {  	[tilespmem:s18], [sflag:$0x2] =	stream.linear.gather [hbm4b:s30+s2], $0xFA0, $0x38;
	[tilespmem:$0x1F700] =	vst v63  }
0x50: {  	_ =	swait.ge [sflag:s17], $0xFA0  }
0x51: {  	[sflag:s17] =	ssyncset.done $0x0  }
.Ltmp5:
0x52: {  	s29 =	sadd.s32 s4, s29;
	[sflag:s17] =	ssyncadd.s32 $0xFFFFF060;
	(pc) =	sbr.rel .LBB2_5-.Ltmp5, $4  }
0x53: {  	[tilespmem:s19], [sflag:$0x2] =	stream.linear.gather [hbm4b:s29+s2], $0xFA0, $0x38;
	[tilespmem:$0x1F700] =	vst v63  }
0x54: {  	_ =	swait.ge [sflag:s17], $0xFA0  }
0x55: {  	[sflag:s17] =	ssyncset.done $0x0  }
0x56: {  	s29 =	simm.s32 $0x100;
	[sflag:s17] =	ssyncadd.s32 $0xFFFFF060  }
.LBB2_7:
0x57: {  	s29 =	sadd.s32 $0x140, s29  }
0x58: {  	p1 =	sne.s32 s29, $0x3F80  }
.Ltmp6:
0x59: {  	_ = 	snop;
	(pc) =	sbr.rel @!p1 .LBB2_8-.Ltmp6, $1  }
0x5a: {  	_ =	sdelay $0x3  }
.LBB2_5:
0x5b: {  	s30 =	sshra.s32 s29, $0x2  }
0x5c: {  	v6 =	vld [tilespmem:s30+$0x3750]  }
0x5d: {  	v7 =	vld [tilespmem:s30+$0x3760]  }
0x5e: {  	v8 =	vld [tilespmem:s30+$0x3770]  }
0x5f: {  	v9 =	vld [tilespmem:s30+$0x3780]  }
0x60: {  	v5 =	vld [tilespmem:s30+$0x3740];
	_ =	sdelay $0x3  }
0x61: {  	v6 =	vld.idx.msk [tilespmem:v6+s2+$0x0], $0xffff  }
0x62: {  	v7 =	vld.idx.msk [tilespmem:v7+s2+$0x0], $0xffff  }
0x63: {  	v8 =	vld.idx.msk [tilespmem:v8+s2+$0x0], $0xffff  }
0x64: {  	v9 =	vld.idx.msk [tilespmem:v9+s2+$0x0], $0xffff  }
0x65: {  	v10 =	vld.idx.msk [tilespmem:v5+s2+$0x0], $0xffff;
	_ =	sdelay $0x1  }
0x66: {  	vm0 =	vgt.f32 v6, $5.000000000e-01;
	vm1 =	vgt.f32 v7, $5.000000000e-01  }
0x67: {  	vm2 =	vgt.f32 v8, $5.000000000e-01;
	vm0 =	vmor vm0, vm1  }
0x68: {  	vm1 =	vgt.f32 v9, $5.000000000e-01;
	vm2 =	vmor vm0, vm2  }
0x69: {  	vm0 =	vgt.f32 v10, $5.000000000e-01;
	vm1 =	vmor vm2, vm1  }
0x6a: {  	vm1 =	vmor vm1, vm0  }
0x6b: {  	v6 =	vmpcnt.ones.xlane vm1;
	_ =	sdelay $0x1  }
0x6c: {  	(v2sf) =	vpush v6, $0x0;
	_ =	sdelay $0xe  }
0x6d: {  	s31 =	spop (v2sf)  }
0x6e: {  	p1 =	slt.s32 s31, $0x1  }
.Ltmp7:
0x6f: {  	_ = 	snop;
	(pc) =	sbr.rel @p1 .LBB2_7-.Ltmp7, $1  }
0x70: {  	_ =	sdelay $0x3  }
0x71: {  	v6 =	vld [tilespmem:s30+$0x2740]  }
0x72: {  	vm1 =	vge.s32 v5, v0;
	vm2 =	vlt.s32 v5, v1  }
0x73: {  	vm1 =	vmand vm1, vm2  }
0x74: {  	vm0 =	vmand vm1, vm0  }
0x75: {  	v7 =	vmpcnt.ones.xlane vm0  }
0x76: {  	v5 =	vsub.s32 v5, v0;
	[tilespmem:s28+$0x4780] =	vst.msk vm0, v6  }
0x77: {  	(v2sf) =	vpush v7, $0x0;
	[tilespmem:s28+$0x9680] =	vst.msk vm0, v5  }
0x78: {  	v5 =	vld [tilespmem:s30+$0x3750];
	_ =	sdelay $0x7  }
0x79: {  	v6 =	vld.idx.msk [tilespmem:v5+s2+$0x0], $0xffff;
	_ =	sdelay $0x2  }
0x7a: {  	v7 =	vld [tilespmem:s30+$0x2750];
	_ =	sdelay $0x1  }
0x7b: {  	vm4 =	vge.s32 v5, v0;
	vm15 =	vgt.f32 v6, $5.000000000e-01  }
0x7c: {  	vm5 =	vlt.s32 v5, v1;
	s31 =	spop (v2sf);
	vm0 =	vmand vm4, vm15  }
0x7d: {  	s28 =	sadd.s32 s28, s31;
	vm0 =	vmand vm5, vm0  }
0x7e: {  	v5 =	vsub.s32 v5, v0;
	[tilespmem:s28+$0x4780] =	vst.msk vm0, v7;
	v6 =	vmpcnt.ones.xlane vm0  }
0x7f: {  	[tilespmem:s28+$0x9680] =	vst.msk vm0, v5  }
0x80: {  	(v2sf) =	vpush v6, $0x0;
	v5 =	vld [tilespmem:s30+$0x3760];
	_ =	sdelay $0x7  }
0x81: {  	v6 =	vld.idx.msk [tilespmem:v5+s2+$0x0], $0xffff;
	_ =	sdelay $0x3  }
0x82: {  	v7 =	vld [tilespmem:s30+$0x2760]  }
0x83: {  	vm7 =	vge.s32 v5, v0;
	vm6 =	vgt.f32 v6, $5.000000000e-01  }
0x84: {  	vm8 =	vlt.s32 v5, v1;
	vm0 =	vmand vm7, vm6  }
0x85: {  	s31 =	spop (v2sf);
	vm0 =	vmand vm8, vm0  }
0x86: {  	s28 =	sadd.s32 s28, s31;
	v6 =	vmpcnt.ones.xlane vm0  }
0x87: {  	v5 =	vsub.s32 v5, v0;
	[tilespmem:s28+$0x4780] =	vst.msk vm0, v7  }
0x88: {  	[tilespmem:s28+$0x9680] =	vst.msk vm0, v5;
	(v2sf) =	vpush v6, $0x0  }
0x89: {  	v5 =	vld [tilespmem:s30+$0x3770];
	_ =	sdelay $0x7  }
0x8a: {  	v6 =	vld.idx.msk [tilespmem:v5+s2+$0x0], $0xffff;
	_ =	sdelay $0x2  }
0x8b: {  	v7 =	vld [tilespmem:s30+$0x2770];
	_ =	sdelay $0x1  }
0x8c: {  	vm10 =	vge.s32 v5, v0;
	vm9 =	vgt.f32 v6, $5.000000000e-01  }
0x8d: {  	vm11 =	vlt.s32 v5, v1;
	s31 =	spop (v2sf);
	vm0 =	vmand vm10, vm9  }
0x8e: {  	s28 =	sadd.s32 s28, s31;
	vm0 =	vmand vm11, vm0  }
0x8f: {  	v5 =	vsub.s32 v5, v0;
	[tilespmem:s28+$0x4780] =	vst.msk vm0, v7  }
0x90: {  	[tilespmem:s28+$0x9680] =	vst.msk vm0, v5  }
0x91: {  	v5 =	vld [tilespmem:s30+$0x3780];
	_ =	sdelay $0x7  }
0x92: {  	v6 =	vld.idx.msk [tilespmem:v5+s2+$0x0], $0xffff;
	_ =	sdelay $0x4  }
0x93: {  	vm13 =	vge.s32 v5, v0;
	vm12 =	vgt.f32 v6, $5.000000000e-01  }
0x94: {  	vm15 =	vlt.s32 v5, v1;
	v6 =	vmpcnt.ones.xlane vm0;
	vm14 =	vmand vm13, vm12  }
0x95: {  	vm0 =	vmand vm15, vm14  }
0x96: {  	(v2sf) =	vpush v6, $0x0;
	v6 =	vmpcnt.ones.xlane vm0;
	_ =	sdelay $0x1  }
0x97: {  	(v2sf) =	vpush v6, $0x0;
	_ =	sdelay $0x9  }
0x98: {  	v6 =	vld [tilespmem:s30+$0x2780];
	_ =	sdelay $0x1  }
.Ltmp8:
0x99: {  	_ = 	snop;
	(pc) =	sbr.rel .LBB2_7-.Ltmp8, $4  }
0x9a: {  	s31 =	spop (v2sf)  }
0x9b: {  	s28 =	sadd.s32 s28, s31  }
0x9c: {  	v5 =	vsub.s32 v5, v0;
	[tilespmem:s28+$0x4780] =	vst.msk vm0, v6;
	s31 =	spop (v2sf)  }
0x9d: {  	[tilespmem:s28+$0x9680] =	vst.msk vm0, v5;
	s28 =	sadd.s32 s28, s31  }
.LBB2_9:
0x9e: {  	[tilespmem:s28+$0x4780] =	vst v3  }
0x9f: {  	[tilespmem:s28+$0x9680] =	vst v4  }
0xa0: {  	[tilespmem:s28+$0x4790] =	vst v3  }
0xa1: {  	[tilespmem:s28+$0x9690] =	vst v4;
	s26 =	sadd.s32 $0x7F, s28  }
0xa2: {  	[tilespmem:s28+$0x47A0] =	vst v3;
	s29 =	sand.u32 $0x7F, s26  }
0xa3: {  	[tilespmem:s28+$0x96A0] =	vst v4;
	p2 =	slt.s32 s26, $0x1;
	p1 =	sne.s32 s29, $0x0;
	s29 =	sshra.s32 s26, $0x1F  }
0xa4: {  	[tilespmem:s28+$0x47B0] =	vst v3;
	s29 =	sshrl.u32 s29, $0x19;
	p1 =	por !p2, !p1  }
0xa5: {  	[tilespmem:s28+$0x96B0] =	vst v4;
	s26 =	sadd.s32 s29, s26;
	p1 =	por !p1, !p1;
	s29 =	simm.s32 $0x1  }
0xa6: {  	[tilespmem:s28+$0x47C0] =	vst v3;
	s26 =	sshra.s32 s26, $0x7;
	s29 =	simm.s32 @!p1 $0x0  }
0xa7: {  	[tilespmem:s28+$0x96C0] =	vst v4;
	s29 =	ssub.s32 s26, s29  }
0xa8: {  	[tilespmem:s28+$0x47D0] =	vst v3;
	p1 =	slt.s32 s29, $0x1  }
.Ltmp9:
0xa9: {  	[tilespmem:s28+$0x96D0] =	vst v4;
	(pc) =	sbr.rel @p1 .LBB2_13-.Ltmp9, $4  }
0xaa: {  	[tilespmem:s28+$0x47E0] =	vst v3  }
0xab: {  	[tilespmem:s28+$0x96E0] =	vst v4  }
0xac: {  	[tilespmem:s28+$0x47F0] =	vst v3  }
0xad: {  	[tilespmem:s28+$0x96F0] =	vst v4  }
0xae: {  	s26 =	simm.s32 $0x47C0  }
0xaf: {  	v5 =	vld [tilespmem:s26+$0xFFFFFFC0];
	_ =	sdelay $0x4  }
0xb0: {  	s28 =	simm.s32 $0x96C0;
	[tilespmem:$0xE580] =	vst v5  }
0xb1: {  	v5 =	vld [tilespmem:s28+$0xFFFFFFC0];
	_ =	sdelay $0x4  }
0xb2: {  	[tilespmem:$0xE600] =	vst v5  }
0xb3: {  	v5 =	vld [tilespmem:s26+$0xFFFFFFD0];
	_ =	sdelay $0x4  }
0xb4: {  	[tilespmem:$0xE590] =	vst v5  }
0xb5: {  	v5 =	vld [tilespmem:s28+$0xFFFFFFD0];
	_ =	sdelay $0x4  }
0xb6: {  	[tilespmem:$0xE610] =	vst v5  }
0xb7: {  	v5 =	vld [tilespmem:s26+$0xFFFFFFE0];
	_ =	sdelay $0x4  }
0xb8: {  	[tilespmem:$0xE5A0] =	vst v5  }
0xb9: {  	v5 =	vld [tilespmem:s28+$0xFFFFFFE0];
	_ =	sdelay $0x4  }
0xba: {  	[tilespmem:$0xE620] =	vst v5  }
0xbb: {  	v5 =	vld [tilespmem:s26+$0xFFFFFFF0];
	_ =	sdelay $0x4  }
0xbc: {  	[tilespmem:$0xE5B0] =	vst v5  }
0xbd: {  	v5 =	vld [tilespmem:s28+$0xFFFFFFF0];
	_ =	sdelay $0x4  }
0xbe: {  	[tilespmem:$0xE630] =	vst v5  }
0xbf: {  	v5 =	vld [tilespmem:s26+$0x0];
	_ =	sdelay $0x4  }
0xc0: {  	[tilespmem:$0xE5C0] =	vst v5  }
0xc1: {  	v5 =	vld [tilespmem:s28+$0x0];
	_ =	sdelay $0x4  }
0xc2: {  	[tilespmem:$0xE640] =	vst v5  }
0xc3: {  	v5 =	vld [tilespmem:s26+$0x10];
	_ =	sdelay $0x4  }
0xc4: {  	[tilespmem:$0xE5D0] =	vst v5  }
0xc5: {  	v5 =	vld [tilespmem:s28+$0x10];
	_ =	sdelay $0x4  }
0xc6: {  	[tilespmem:$0xE650] =	vst v5  }
0xc7: {  	v5 =	vld [tilespmem:s26+$0x20];
	_ =	sdelay $0x4  }
0xc8: {  	[tilespmem:$0xE5E0] =	vst v5  }
0xc9: {  	v5 =	vld [tilespmem:s28+$0x20];
	_ =	sdelay $0x4  }
0xca: {  	[tilespmem:$0xE660] =	vst v5  }
0xcb: {  	v5 =	vld [tilespmem:s26+$0x30];
	_ =	sdelay $0x4  }
0xcc: {  	[tilespmem:$0xE5F0] =	vst v5  }
0xcd: {  	v5 =	vld [tilespmem:s28+$0x30];
	_ =	sdelay $0x4  }
0xce: {  	[tilespmem:$0xE670] =	vst v5  }
0xcf: {  	[tilespmem:s23], [sflag:$0x1] =	stream.indirect.gather [hbm4b:s7+s21], $0x80, s22, s21, $0xb8;
	[tilespmem:$0x1F700] =	vst v63  }
0xd0: {  	p1 =	sne.s32 s29, $0x1;
	_ =	swait.ge [sflag:s20], $0x4000  }
.Ltmp10:
0xd1: {  	[sflag:s20] =	ssyncset.done $0x0;
	(pc) =	sbr.rel @!p1 .LBB2_12-.Ltmp10, $4  }
0xd2: {  	[sflag:s20] =	ssyncadd.s32 $0xFFFFC000  }
0xd3: {  	[spmem:s1] =	stream.indirect.scatter.add.f32 [tilespmem:s23], [sflag:$0x2], $0x80, s24, s21, $0xb8;
	[tilespmem:$0x1F700] =	vst v63  }
0xd4: {  	_ =	swait.ge [sflag:s17], $0x4000  }
0xd5: {  	s29 =	sadd.s32 $0xFFFFFFFF, s29;
	[sflag:s17] =	ssyncset.done $0x0  }
.LBB2_11:
0xd6: {  	[sflag:s17] =	ssyncadd.s32 $0xFFFFC000;
	s26 =	sadd.s32 $0x80, s26;
	s28 =	sadd.s32 $0x80, s28  }
0xd7: {  	p1 =	sne.s32 s29, $0x1;
	s29 =	sadd.s32 $0xFFFFFFFF, s29;
	v5 =	vld [tilespmem:s26+$0xFFFFFFC0];
	_ =	sdelay $0x4  }
0xd8: {  	[tilespmem:$0xE580] =	vst v5  }
0xd9: {  	v5 =	vld [tilespmem:s28+$0xFFFFFFC0];
	_ =	sdelay $0x4  }
0xda: {  	[tilespmem:$0xE600] =	vst v5  }
0xdb: {  	v5 =	vld [tilespmem:s26+$0xFFFFFFD0];
	_ =	sdelay $0x4  }
0xdc: {  	[tilespmem:$0xE590] =	vst v5  }
0xdd: {  	v5 =	vld [tilespmem:s28+$0xFFFFFFD0];
	_ =	sdelay $0x4  }
0xde: {  	[tilespmem:$0xE610] =	vst v5  }
0xdf: {  	v5 =	vld [tilespmem:s26+$0xFFFFFFE0];
	_ =	sdelay $0x4  }
0xe0: {  	[tilespmem:$0xE5A0] =	vst v5  }
0xe1: {  	v5 =	vld [tilespmem:s28+$0xFFFFFFE0];
	_ =	sdelay $0x4  }
0xe2: {  	[tilespmem:$0xE620] =	vst v5  }
0xe3: {  	v5 =	vld [tilespmem:s26+$0xFFFFFFF0];
	_ =	sdelay $0x4  }
0xe4: {  	[tilespmem:$0xE5B0] =	vst v5  }
0xe5: {  	v5 =	vld [tilespmem:s28+$0xFFFFFFF0];
	_ =	sdelay $0x4  }
0xe6: {  	[tilespmem:$0xE630] =	vst v5  }
0xe7: {  	v5 =	vld [tilespmem:s26+$0x0];
	_ =	sdelay $0x4  }
0xe8: {  	[tilespmem:$0xE5C0] =	vst v5  }
0xe9: {  	v5 =	vld [tilespmem:s28+$0x0];
	_ =	sdelay $0x4  }
0xea: {  	[tilespmem:$0xE640] =	vst v5  }
0xeb: {  	v5 =	vld [tilespmem:s26+$0x10];
	_ =	sdelay $0x4  }
0xec: {  	[tilespmem:$0xE5D0] =	vst v5  }
0xed: {  	v5 =	vld [tilespmem:s28+$0x10];
	_ =	sdelay $0x4  }
0xee: {  	[tilespmem:$0xE650] =	vst v5  }
0xef: {  	v5 =	vld [tilespmem:s26+$0x20];
	_ =	sdelay $0x4  }
0xf0: {  	[tilespmem:$0xE5E0] =	vst v5  }
0xf1: {  	v5 =	vld [tilespmem:s28+$0x20];
	_ =	sdelay $0x4  }
0xf2: {  	[tilespmem:$0xE660] =	vst v5  }
0xf3: {  	v5 =	vld [tilespmem:s26+$0x30];
	_ =	sdelay $0x4  }
0xf4: {  	[tilespmem:$0xE5F0] =	vst v5  }
0xf5: {  	v5 =	vld [tilespmem:s28+$0x30];
	_ =	sdelay $0x4  }
0xf6: {  	[tilespmem:$0xE670] =	vst v5  }
0xf7: {  	[tilespmem:s23], [sflag:$0x1] =	stream.indirect.gather [hbm4b:s7+s21], $0x80, s22, s21, $0xb8;
	[tilespmem:$0x1F700] =	vst v63  }
0xf8: {  	_ =	swait.ge [sflag:s20], $0x4000  }
.Ltmp11:
0xf9: {  	[sflag:s20] =	ssyncset.done $0x0;
	(pc) =	sbr.rel @p1 .LBB2_11-.Ltmp11, $4  }
0xfa: {  	[sflag:s20] =	ssyncadd.s32 $0xFFFFC000  }
0xfb: {  	[spmem:s1] =	stream.indirect.scatter.add.f32 [tilespmem:s23], [sflag:$0x2], $0x80, s24, s21, $0xb8;
	[tilespmem:$0x1F700] =	vst v63  }
0xfc: {  	_ =	swait.ge [sflag:s17], $0x4000  }
0xfd: {  	[sflag:s17] =	ssyncset.done $0x0  }
.Ltmp12:
0xfe: {  	_ = 	snop;
	(pc) =	sbr.rel .LBB2_12-.Ltmp12, $1  }
0xff: {  	_ =	sdelay $0x3  }
.LBB2_14:
0x100: {  	_ =	sfence.sel $0x180000  }
0x101: {  	[bflag:$0x0] =	sbarrier.arrive $0xFFFF  }
0x102: {  	_ =	strace $0x9000004A  }
0x103: {  	s0 =	sadd.s32 @!p0 $0x100000, s0;
	[bflag:$0x2] =	sbarrier.arrive $0xFFFF  }
0x104: {  	[sflag:s0] =	ssyncadd.tile.s32 @!p0 $0x1;
	_ =	shalt  }
.Lfunc_end2:
_tile_overlayer_lowered:
.L_overlay_start_2:
0x105: {  	(tag) =	ssettag $0x2  }
0x106: {  	s0 =	rddreg [dreg:$0x0];
	s2 =	stileid.u32  }
0x107: {  	s1 =	rddreg [dreg:$0x1];
	p0 =	sne.s32 s2, $0x0  }
0x108: {  	s3 =	rddreg [dreg:$0x2];
	[bflag:$0x3] =	sbarrier.arrive $0xFFFF;
	s2 =	simm.s32 @!p0 $0x1C02  }
0x109: {  	[timem:s3], [sflag:s2] =	dma.local @!p0 [hbm:s0], s1  }
0x10a: {  	s0 =	simm.s32 @!p0 $0x2  }
0x10b: {  	_ =	swait.ge @!p0 [sflag:s0], s1  }
0x10c: {  	s1 =	ssub.s32 @!p0 $0x0, s1;
	[sflag:s0] =	ssyncset.done @!p0 $0x0  }
0x10d: {  	[sflag:s0] =	ssyncadd.s32 @!p0 s1  }
0x10e: {  	[bflag:$0x3] =	sbarrier.arrive $0xFFFF  }
0x10f: {  	_ =	shalt  }

// kernel: kernel.7.cloned.1.call-start
scs
__scs_entry_jumppad:
0x0: {  	(pc) =	sbr.rel $0x88, $3  }
0x1: {  	(tag) =	ssettag $0x0;
	lr =	simm.s32 $0x1  }
0x2: {  	[smem:$0x3F97] =	sst lr;
	_ =	strace $0xD0000000  }
0x3: {  	_ = 	snop  }
0x4: {  	_ = 	snop  }
0x5: {  	_ = 	snop  }
0x6: {  	_ = 	snop  }
0x7: {  	_ = 	snop  }
__scs_overlays_trampoline_lowered:
0x8: {  	[smem:$0x3FA6] =	sst s0  }
0x9: {  	[smem:$0x3FA7] =	sst s1  }
0xa: {  	[smem:$0x3FA8] =	sst s2  }
0xb: {  	[smem:$0x3FA9] =	sst s3  }
0xc: {  	[smem:$0x3FAA] =	sst s4  }
0xd: {  	[smem:$0x3FAB] =	sst s5  }
0xe: {  	[smem:$0x3FAC] =	sst s6  }
0xf: {  	[smem:$0x3FAD] =	sst s7  }
0x10: {  	[smem:$0x3FAE] =	sst s8  }
0x11: {  	[smem:$0x3FAF] =	sst s9;
	s0 =	simm.s32 @!p0 $0x0  }
0x12: {  	s1 =	sld [smem:$0x3F95];
	s0 =	simm.s32 @p0 $0x1  }
0x13: {  	[smem:$0x3FB0] =	sst s0;
	s0 =	simm.s32 @!p1 $0x0  }
0x14: {  	s2 =	sld [smem:$0x3F94];
	s0 =	simm.s32 @p1 $0x1  }
0x15: {  	[smem:$0x3FB1] =	sst s0;
	s0 =	simm.s32 @!p2 $0x0  }
0x16: {  	s3 =	sld [smem:$0x3FDB];
	s0 =	simm.s32 @p2 $0x1  }
0x17: {  	s4 =	simm.s32 $0x1BF5;
	[smem:$0x3FB3] =	sst s0  }
0x18: {  	s0 =	sld [smem:$0x3F96];
	_ =	swait.ge [sflag:s4], $0x0  }
0x19: {  	s7 =	sld [smem:$0x3F97]  }
0x1a: {  	s8 =	sadd.s32 $0xFFFFE003, lr  }
0x1b: {  	s9 =	sadd.s32 $0xFFFFFEF7, lr;
	s5 =	simm.s32 $0xFFFFFFFF;
	p2 =	slt.u32 s8, $0xFFFFF086  }
0x1c: {  	p1 =	slt.u32 s9, $0xF7A;
	s5 =	simm.s32 @!p2 $0x0  }
0x1d: {  	s5 =	simm.s32 @p1 $0x1;
	p0 =	seq.s32 s7, s2  }
0x1e: {  	s7 =	smul.u32 @!p0 $0xF7A, s2;
	p2 =	seq.s32 @!p0 s5, $0x0  }
0x1f: {  	s9 =	smul.u32 $0xF7A, s1;
	s8 =	simm.s32 @!p0 $0x1BF5;
	p2 =	por !p2, p0  }
0x20: {  	[sflag:s8] =	ssyncset.s32 @!p0 $0xFFFFF086;
	s6 =	sadd.s32 @!p0 s3, s7;
	s7 =	simm.s32 @!p0 $0x108  }
0x21: {  	s3 =	sadd.s32 s3, s9;
	s6 =	sadd.s32 @!p0 $0x88, s6;
	s7 =	simm.s32 @p2 $0x1082  }
0x22: {  	[simem:s7], [sflag:s8] =	dma.local @!p0 [hbm:s6], $0xF7A  }
0x23: {  	s9 =	sor.u32 $0xD0000000, s2;
	s6 =	simm.s32 $0x108;
	_ =	swait.ge @!p0 [sflag:s8], $0x0  }
0x24: {  	s3 =	sadd.s32 $0x88, s3;
	s6 =	simm.s32 @!p1 $0x1082;
	[sflag:s4] =	ssyncset.s32 $0xFFFFF086  }
0x25: {  	[simem:s6], [sflag:s4] =	dma.local [hbm:s3], $0xF7A  }
0x26: {  	[smem:$0x3F97] =	sst s1;
	(tag) =	ssettag s2;
	_ =	strace s9  }
0x27: {  	s1 =	sld [smem:$0x3FA7]  }
0x28: {  	s2 =	sld [smem:$0x3FA8]  }
0x29: {  	s4 =	sld [smem:$0x3FAA]  }
0x2a: {  	p0 =	seq.s32 s5, $0x0;
	s5 =	sld [smem:$0x3FAB]  }
0x2b: {  	s6 =	sld [smem:$0x3FAC]  }
0x2c: {  	s7 =	sld [smem:$0x3FAD]  }
0x2d: {  	s3 =	simm.s32 $0x108;
	s8 =	sld [smem:$0x3FAE]  }
0x2e: {  	s3 =	simm.s32 @!p0 $0x1082;
	s9 =	sld [smem:$0x3FAF]  }
0x2f: {  	lr =	sadd.s32 s0, s3;
	s0 =	sld [smem:$0x3FA6]  }
0x30: {  	s3 =	sld [smem:$0x3FA9]  }
0x31: {  	[smem:$0x3FB2] =	sst s10  }
0x32: {  	s10 =	sld [smem:$0x3FB0];
	_ =	sdelay $0x3  }
0x33: {  	p0 =	seq.s32 s10, $0x1;
	s10 =	sld [smem:$0x3FB2];
	_ =	sdelay $0x3  }
0x34: {  	[smem:$0x3FB2] =	sst s10  }
0x35: {  	s10 =	sld [smem:$0x3FB1];
	_ =	sdelay $0x3  }
0x36: {  	p1 =	seq.s32 s10, $0x1;
	s10 =	sld [smem:$0x3FB2];
	_ =	sdelay $0x3  }
0x37: {  	[smem:$0x3FB2] =	sst s10  }
0x38: {  	s10 =	sld [smem:$0x3FB3]  }
0x39: {  	_ = 	snop;
	(pc) =	sbr.ind lr, $3  }
0x3a: {  	_ = 	snop  }
0x3b: {  	_ = 	snop  }
0x3c: {  	p2 =	seq.s32 s10, $0x1;
	s10 =	sld [smem:$0x3FB2]  }
0x3d: {  	_ =	shalt  }
0x3e: {  	_ =	shalt  }
0x3f: {  	_ =	shalt  }
0x40: {  	_ =	shalt  }
0x41: {  	_ =	shalt  }
0x42: {  	_ =	shalt  }
0x43: {  	_ =	shalt  }
0x44: {  	_ =	shalt  }
0x45: {  	_ =	shalt  }
0x46: {  	_ =	shalt  }
0x47: {  	_ =	shalt  }
0x48: {  	_ =	shalt  }
0x49: {  	_ =	shalt  }
0x4a: {  	_ =	shalt  }
0x4b: {  	_ =	shalt  }
0x4c: {  	_ =	shalt  }
0x4d: {  	_ =	shalt  }
0x4e: {  	_ =	shalt  }
0x4f: {  	_ =	shalt  }
0x50: {  	_ =	shalt  }
0x51: {  	_ =	shalt  }
0x52: {  	_ =	shalt  }
0x53: {  	_ =	shalt  }
0x54: {  	_ =	shalt  }
0x55: {  	_ =	shalt  }
0x56: {  	_ =	shalt  }
0x57: {  	_ =	shalt  }
0x58: {  	_ =	shalt  }
0x59: {  	_ =	shalt  }
0x5a: {  	_ =	shalt  }
0x5b: {  	_ =	shalt  }
0x5c: {  	_ =	shalt  }
0x5d: {  	_ =	shalt  }
0x5e: {  	_ =	shalt  }
0x5f: {  	_ =	shalt  }
0x60: {  	_ =	shalt  }
0x61: {  	_ =	shalt  }
0x62: {  	_ =	shalt  }
0x63: {  	_ =	shalt  }
0x64: {  	_ =	shalt  }
0x65: {  	_ =	shalt  }
0x66: {  	_ =	shalt  }
0x67: {  	_ =	shalt  }
0x68: {  	_ =	shalt  }
0x69: {  	_ =	shalt  }
0x6a: {  	_ =	shalt  }
0x6b: {  	_ =	shalt  }
0x6c: {  	_ =	shalt  }
0x6d: {  	_ =	shalt  }
0x6e: {  	_ =	shalt  }
0x6f: {  	_ =	shalt  }
0x70: {  	_ =	shalt  }
0x71: {  	_ =	shalt  }
0x72: {  	_ =	shalt  }
0x73: {  	_ =	shalt  }
0x74: {  	_ =	shalt  }
0x75: {  	_ =	shalt  }
0x76: {  	_ =	shalt  }
0x77: {  	_ =	shalt  }
0x78: {  	_ =	shalt  }
0x79: {  	_ =	shalt  }
0x7a: {  	_ =	shalt  }
0x7b: {  	_ =	shalt  }
0x7c: {  	_ =	shalt  }
0x7d: {  	_ =	shalt  }
0x7e: {  	_ =	shalt  }
0x7f: {  	_ =	shalt  }
0x80: {  	_ =	shalt  }
0x81: {  	_ =	shalt  }
0x82: {  	_ =	shalt  }
0x83: {  	_ =	shalt  }
0x84: {  	_ =	shalt  }
0x85: {  	_ =	shalt  }
0x86: {  	_ =	shalt  }
0x87: {  	_ =	shalt  }
.Lfunc_end0:
.L_simem_size_0:
called_computation_lowered:
.L_overlay_start_0:
0x88: {  	s2 =	sld [smem:$0x3FD9]  }
0x89: {  	s3 =	sld [smem:$0x3FFE];
	_ =	sdelay $0x1  }
0x8a: {  	s1 =	srdreg.scid  }
0x8b: {  	s0 =	sand.u32 $0x1, s1  }
0x8c: {  	s16 =	sshll.u32 s0, $0xA;
	s2 =	sadd.s32 s3, s2  }
0x8d: {  	s2 =	sadd.s32 s2, s16  }
0x8e: {  	[smem:$0x3FBE] =	sst s2  }
0x8f: {  	_ = 	snop  }
0x90: {  	(tm) =	ssettm $0x1  }
0x91: {  	s17 =	sld [smem:$0x3FFB];
	_ =	sdelay $0x3  }
0x92: {  	_ =	strace s17  }
0x93: {  	s2 =	sld [smem:$0x3FFC];
	_ =	sdelay $0x3  }
0x94: {  	_ =	strace s2  }
0x95: {  	s2 =	sld [smem:$0x3FFD];
	_ =	sdelay $0x3  }
0x96: {  	_ =	strace s2  }
0x97: {  	_ =	strace $0x8FFFFFFF  }
0x98: {  	s18 =	sld [smem:$0x3FDB];
	_ =	sdelay $0x1  }
0x99: {  	s19 =	simm.s32 $_scs_section_size  }
0x9a: {  	s4 =	simm.s32 $_size__tile_overlayer_lowered;
	s5 =	simm.s32 $_tile_overlayer_lowered  }
0x9b: {  	s22 =	simm.s32 $0x1BFF;
	s21 =	sshll.u32 s5, $0x1;
	s2 =	sadd.s32 s19, s18  }
0x9c: {  	s6 =	simm.s32 $0x0;
	s20 =	sshll.u32 s4, $0x1;
	s4 =	sadd.s32 s21, s2  }
0x9d: {  	[timem:s6], [sflag:s22] =	dma.local [hbm:s4], s20  }
0x9e: {  	_ =	swait.ge [sflag:s22], s20  }
0x9f: {  	s3 =	ssub.s32 $0x0, s20;
	[sflag:s22] =	ssyncset.done $0x0  }
0xa0: {  	[sflag:s22] =	ssyncadd.s32 s3;
	_ =	sdelay $0x1  }
0xa1: {  	s23 =	simm.s32 $0x1B8B  }
0xa2: {  	_ =	swait.ge [sflag:s23], $0x1  }
0xa3: {  	[sflag:s23] =	ssyncset.done $0x0  }
0xa4: {  	s25 =	simm.s32 $0x1B8E;
	s24 =	sld [smem:$0x3FFE];
	[sflag:s23] =	ssyncadd.s32 $0xFFFFFFFF  }
0xa5: {  	s26 =	simm.s32 $execute0_lowered;
	[smem:$0x3FD2] =	sst s25  }
0xa6: {  	s4 =	sshll.u32 s26, $0x1;
	_ =	strace $0x80000046;
	[dreg:$0x1] =	wrdreg $0xFFFFFFFF  }
0xa7: {  	s28 =	simm.s32 $_size_execute0_lowered;
	s2 =	sadd.s32 s2, s4;
	[dreg:$0x0] =	wrdreg $0x0  }
0xa8: {  	s4 =	sshll.u32 s28, $0x1;
	[dreg:$0x2] =	wrdreg s2  }
0xa9: {  	[dreg:$0x3] =	wrdreg s4  }
0xaa: {  	[dreg:$0x4] =	wrdreg $0xC0  }
0xab: {  	_ =	task [dreg:s6], $0x5FFFF  }
0xac: {  	[dreg:$0x1] =	wrdreg $0xFFFFFFFF  }
0xad: {  	[dreg:$0x0] =	wrdreg $0x60  }
0xae: {  	[dreg:$0x2] =	wrdreg s24  }
0xaf: {  	[dreg:$0x3] =	wrdreg $0x9  }
0xb0: {  	_ =	task.clear_ibuf [dreg:s6], $0x4FFFF;
	_ =	strace $0x90000046  }
0xb1: {  	s29 =	simm.s32 $0x9;
	_ =	strace $0x80000048  }
0xb2: {  	_ =	swait.ge [sflag:s29], $0x1  }
0xb3: {  	[sflag:s29] =	ssyncadd.s32 $0xFFFFFFFF  }
0xb4: {  	_ =	strace $0x90000048  }
0xb5: {  	_ =	sfence  }
0xb6: {  	s30 =	sld [smem:$0x0];
	_ =	sdelay $0x2  }
0xb7: {  	s31 =	sshll.u32 s1, $0xD;
	s1 =	sshrl.u32 s1, $0x2  }
0xb8: {  	s3 =	sand.u32 $0x4000, s31;
	s1 =	sadd.s32 s1, s30  }
0xb9: {  	s0 =	sor.u32 s3, s0;
	s1 =	sshll.u32 s1, $0x11  }
0xba: {  	s0 =	sor.u32 s1, s0  }
0xbb: {  	s0 =	sadd.s32 $0x8F2B, s0  }
0xbc: {  	[sflag:s0] =	ssyncadd.remote.s32 $0x1  }
0xbd: {  	_ =	sfence.sel $0xFFFF  }
0xbe: {  	[dreg:$0x0] =	wrdreg $0xFFFFFFFF;
	(pc) =	sbr.abs _section_cstart, $3  }
0xbf: {  	[dreg:$0x1] =	wrdreg $0xFFFFFFFF  }
0xc0: {  	_ =	task.clear_ibuf [dreg:s6], $0x2FFFF;
	_ =	strace $0x9FFFFFFF  }
0xc1: {  	(tm) =	ssettm $0x7FFFFFFF  }
tec
execute0_lowered:
.L_overlay_start_1:
0x0: {  	(tag) =	ssettag $0x1  }
0x1: {  	s0 =	srdreg.scid  }
0x2: {  	s5 =	rddreg [dreg:$0x0];
	s2 =	simm.s32 $0x0;
	s3 =	sand.u32 $0x1, s0  }
0x3: {  	s10 =	simm.s32 $0x7D80;
	s0 =	stileid.u32;
	s1 =	sshll.u32 s3, $0x4  }
0x4: {  	s11 =	simm.s32 $0x80;
	s12 =	simm.s32 $0x400;
	s6 =	sor.u32 s0, s1  }
0x5: {  	s13 =	simm.s32 $0x0;
	[smem:$0x7FF] =	sst s2;
	s4 =	sshrl.u32 s6, $0x3  }
0x6: {  	s7 =	sshll.u32 s0, $0x7;
	s31 =	ssub.s32 $0x2, s3;
	s4 =	smul.u32 $0x3AC00, s4  }
0x7: {  	s3 =	sadd.s32 $0xB600, s5;
	s1 =	rddreg [dreg:$0x1];
	s7 =	sand.u32 $0x380, s7  }
0x8: {  	_ =	strace $0x80000047;
	s9 =	sshrl.u32 s31, $0x1;
	s4 =	sor.u32 s7, s4  }
0x9: {  	s7 =	ssub.s32 s31, s9;
	s9 =	simm.s32 $0x1;
	s8 =	sshrl.u32 s4, $0x3  }
0xa: {  	s4 =	sadd.s32 $0x1800, s5;
	s7 =	smax.u32 s7, $0x1;
	s8 =	sadd.s32 s8, s5  }
0xb: {  	v0 =	vimm.f32 $0.0e+00;
	v1 =	vimm.f32 $1.000000000e+00;
	s5 =	smul.u32 $0x2710, s6;
	s6 =	sadd.s32 $0x15400, s8;
	s8 =	simm.s32 $0x7580  }
.LBB2_1:
0xc: {  	s14 =	simm.s32 $0x40;
	s15 =	simm.s32 $0x0  }
.LBB2_2:
0xd: {  	p0 =	sne.s32 s14, $0x1D480;
	[tilespmem:s15+$0x0] =	vst v0;
	s15 =	smov.u32 s14;
	s14 =	sadd.s32 $0x40, s14  }
.Ltmp0:
0xe: {  	(pc) =	sbr.rel @p0 .LBB2_2-.Ltmp0, $2  }
0xf: {  	_ =	sdelay $0x2  }
0x10: {  	s15 =	sshra.s32 s15, $0x2  }
0x11: {  	[tilespmem:s15+$0x0] =	vst v0;
	s14 =	simm.s32 $0x0;
	s15 =	simm.s32 $0x0  }
.LBB2_4:
0x12: {  	s16 =	smul.u32 $0x7D0, s15;
	_ =	sdelay $0x1  }
0x13: {  	s16 =	sadd.s32 s5, s16  }
0x14: {  	s16 =	sshrl.u32 s16, $0x3  }
0x15: {  	s17 =	sadd.s32 s3, s16  }
0x16: {  	[tilespmem:s8], [sflag:$0x1] =	stream.linear.gather [hbm4b:s17+s14], $0x7D0, $0x38;
	[tilespmem:$0x8580] =	vst v63  }
0x17: {  	_ =	swait.ge [sflag:s9], $0x7D0  }
0x18: {  	[sflag:s9] =	ssyncset.done $0x0  }
0x19: {  	s16 =	sadd.s32 s4, s16;
	[sflag:s9] =	ssyncadd.s32 $0xFFFFF830  }
0x1a: {  	[tilespmem:s10], [sflag:$0x1] =	stream.linear.gather [hbm4b:s16+s14], $0x7D0, $0x38;
	[tilespmem:$0x8580] =	vst v63  }
0x1b: {  	_ =	swait.ge [sflag:s9], $0x7D0  }
0x1c: {  	[sflag:s9] =	ssyncset.done $0x0  }
0x1d: {  	s30 =	simm.s32 $0x0;
	[sflag:s9] =	ssyncadd.s32 $0xFFFFF830  }
0x1e: {  	v2 =	vld [tilespmem:s30+$0x7D80];
	_ =	sdelay $0x4  }
0x1f: {  	vm0 =	veq.s32 v2, $0x0  }
0x20: {  	v3 =	vmpcnt.ones.xlane vm0;
	_ =	sdelay $0x1  }
0x21: {  	(v2sf) =	vpush v3, $0x0;
	_ =	sdelay $0xc  }
0x22: {  	v3 =	vld [tilespmem:s30+$0x7580];
	_ =	sdelay $0x1  }
0x23: {  	s31 =	spop (v2sf)  }
0x24: {  	p1 =	slt.s32 s31, $0x1  }
0x25: {  	v4 =	vadd.s32 $0x2710, v2;
	vm0 =	veq.s32 @!p1 v2, $0x0  }
0x26: {  	v2 =	vadd.s32 @!p1 $0x4E20, v3;
	_ =	sdelay $0x2  }
0x27: {  	[tilespmem:v3+s2+$0x0] =	vst.idx.add.f32.msk $0xffff, v1  }
0x28: {  	s17 =	simm.s32 $0x80;
	s16 =	simm.s32 $0x40;
	[tilespmem:v4+s2+$0x0] =	vst.idx.add.f32.msk $0xffff, v1;
	v3 =	vimm.f32 @!p1 $1.000000000e+00;
	s18 =	simm.s32 @!p1 $0x0  }
.LBB2_5:
0x29: {  	s19 =	sshra.s32 s16, $0x2;
	[tilespmem:v2+s18+$0x0] =	vst.idx.add.f32.msk @!p1 vm0, v3;
	s16 =	smov.u32 s17;
	s17 =	sadd.s32 $0x40, s17  }
0x2a: {  	p0 =	sne.s32 s17, $0x1F40;
	v2 =	vld [tilespmem:s19+$0x7D80]  }
0x2b: {  	v3 =	vld [tilespmem:s19+$0x7580];
	_ =	sdelay $0x3  }
0x2c: {  	v4 =	vadd.s32 $0x2710, v2;
	vm0 =	veq.s32 v2, $0x0  }
0x2d: {  	v5 =	vmpcnt.ones.xlane vm0;
	_ =	sdelay $0x1  }
0x2e: {  	(v2sf) =	vpush v5, $0x0  }
0x2f: {  	[tilespmem:v3+s2+$0x0] =	vst.idx.add.f32.msk $0xffff, v1  }
0x30: {  	[tilespmem:v4+s2+$0x0] =	vst.idx.add.f32.msk $0xffff, v1;
	_ =	sdelay $0xc  }
0x31: {  	s18 =	spop (v2sf)  }
0x32: {  	p1 =	slt.s32 s18, $0x1  }
0x33: {  	vm0 =	veq.s32 @!p1 v2, $0x0  }
.Ltmp1:
0x34: {  	v2 =	vadd.s32 @!p1 $0x4E20, v3;
	(pc) =	sbr.rel @p0 .LBB2_5-.Ltmp1, $2  }
0x35: {  	_ =	sdelay $0x2  }
0x36: {  	v3 =	vimm.f32 @!p1 $1.000000000e+00;
	s18 =	simm.s32 @!p1 $0x0  }
0x37: {  	_ =	sdelay $0x4  }
0x38: {  	s16 =	sshra.s32 s16, $0x2;
	[tilespmem:v2+s18+$0x0] =	vst.idx.add.f32.msk @!p1 vm0, v3  }
0x39: {  	v2 =	vld [tilespmem:s16+$0x7D80];
	_ =	sdelay $0x4  }
0x3a: {  	vm15 =	veq.s32 v2, $0x0  }
0x3b: {  	v3 =	vmpcnt.ones.xlane vm15;
	_ =	sdelay $0x1  }
0x3c: {  	(v2sf) =	vpush v3, $0x0;
	_ =	sdelay $0xc  }
0x3d: {  	v3 =	vld [tilespmem:s16+$0x7580];
	_ =	sdelay $0x1  }
0x3e: {  	s31 =	spop (v2sf)  }
0x3f: {  	p0 =	slt.s32 s31, $0x1  }
0x40: {  	s15 =	sadd.s32 $0x1, s15;
	v4 =	vadd.s32 $0x2710, v2;
	vm0 =	veq.s32 @!p0 v2, $0x0  }
0x41: {  	p1 =	sne.s32 s15, $0x5;
	v2 =	vadd.s32 @!p0 $0x4E20, v3  }
.Ltmp2:
0x42: {  	_ = 	snop;
	(pc) =	sbr.rel @p1 .LBB2_4-.Ltmp2, $4  }
0x43: {  	_ = 	snop  }
0x44: {  	[tilespmem:v3+s2+$0x0] =	vst.idx.add.f32.msk $0xffff, v1  }
0x45: {  	[tilespmem:v4+s2+$0x0] =	vst.idx.add.f32.msk $0xffff, v1;
	v3 =	vimm.f32 @!p0 $1.000000000e+00;
	s16 =	simm.s32 @!p0 $0x0  }
0x46: {  	[tilespmem:v2+s16+$0x0] =	vst.idx.add.f32.msk @!p0 vm0, v3  }
0x47: {  	s13 =	sadd.s32 $0x1, s13  }
0x48: {  	p0 =	sne.s32 s13, s7  }
.Ltmp3:
0x49: {  	_ = 	snop;
	(pc) =	sbr.rel @p0 .LBB2_1-.Ltmp3, $4  }
0x4a: {  	[hbm4b:s6+s11] =	stream.strided.scatter [tilespmem:s2], [sflag:$0x1], $0x7580, s12, s11, $0x38;
	[tilespmem:$0x8580] =	vst v63  }
0x4b: {  	_ =	swait.ge [sflag:s9], $0x7580  }
0x4c: {  	[sflag:s9] =	ssyncset.done $0x0  }
0x4d: {  	[sflag:s9] =	ssyncadd.s32 $0xFFFF8A80  }
0x4e: {  	_ =	sfence.sel $0x180000  }
0x4f: {  	[bflag:$0x0] =	sbarrier.arrive $0xFFFF  }
0x50: {  	p0 =	sne.s32 s0, $0x0;
	_ =	strace $0x90000047  }
0x51: {  	s0 =	sadd.s32 @!p0 $0x100000, s1;
	[bflag:$0x2] =	sbarrier.arrive $0xFFFF  }
0x52: {  	[sflag:s0] =	ssyncadd.tile.s32 @!p0 $0x1;
	_ =	shalt  }
.Lfunc_end2:
_tile_overlayer_lowered:
.L_overlay_start_2:
0x53: {  	(tag) =	ssettag $0x2  }
0x54: {  	s0 =	rddreg [dreg:$0x0];
	s2 =	stileid.u32  }
0x55: {  	s1 =	rddreg [dreg:$0x1];
	p0 =	sne.s32 s2, $0x0  }
0x56: {  	s3 =	rddreg [dreg:$0x2];
	[bflag:$0x3] =	sbarrier.arrive $0xFFFF;
	s2 =	simm.s32 @!p0 $0x1C01  }
0x57: {  	[timem:s3], [sflag:s2] =	dma.local @!p0 [hbm:s0], s1  }
0x58: {  	s0 =	simm.s32 @!p0 $0x1  }
0x59: {  	_ =	swait.ge @!p0 [sflag:s0], s1  }
0x5a: {  	s1 =	ssub.s32 @!p0 $0x0, s1;
	[sflag:s0] =	ssyncset.done @!p0 $0x0  }
0x5b: {  	[sflag:s0] =	ssyncadd.s32 @!p0 s1  }
0x5c: {  	[bflag:$0x3] =	sbarrier.arrive $0xFFFF  }
0x5d: {  	_ =	shalt  }

</sc_bundles>
